<compile_context>
chip_gen: v7x
topology: tpu7x:2x2x1
jax: 0.10.2.dev20260603
libtpu: 0.0.44.dev20260713+nightly
codegen_flags: <defaults>
</compile_context>

<pallas_src>
import functools

import jax
import jax.numpy as jnp
from jax import lax
from jax.experimental import pallas as pl
from jax.experimental.pallas import tpu as pltpu
from jax.experimental.pallas import tpu_sc as plsc

B = 16384
D = 64
NUM_REL = 1000
TP = 1000

_info = plsc.get_sparse_core_info()
NC = _info.num_cores
NS = _info.num_subcores
L = _info.num_lanes
NW = NC * NS
BPW = B // NW
CH = 128
NCH = BPW // CH
DU = 8


def _make_sc_kernel():
    mesh = plsc.VectorSubcoreMesh(core_axis_name="c", subcore_axis_name="s")

    @functools.partial(
        pl.kernel,
        mesh=mesh,
        compiler_params=pltpu.CompilerParams(needs_layout_passes=False,
                                             use_tc_tiling_on_sc=True),
        out_type=jax.ShapeDtypeStruct((B,), jnp.float32),
        scratch_types=[
            pltpu.VMEM((D * TP,), jnp.float32),
            pltpu.VMEM((BPW,), jnp.int32),
            pltpu.VMEM((D, CH), jnp.float32),
            pltpu.VMEM((D, CH), jnp.float32),
            pltpu.VMEM((D, CH), jnp.float32),
            pltpu.VMEM((D, CH), jnp.float32),
            pltpu.VMEM((BPW,), jnp.float32),
            pltpu.VMEM_SHARED((D * TP,), jnp.float32),
            pltpu.SemaphoreType.DMA,
            pltpu.SemaphoreType.DMA,
        ],
    )
    def sc_kernel(sT_hbm, oT_hbm, rel_hbm, tflat_hbm, out_hbm,
                  tflat_v, idx_v, s0_v, o0_v, s1_v, o1_v, out_v,
                  shared_v, sem_b0, sem_b1):
        sid = lax.axis_index("s")
        wid = sid * NC + lax.axis_index("c")
        base = wid * BPW
        bufs = ((s0_v, o0_v, sem_b0), (s1_v, o1_v, sem_b1))

        def prefetch(c):
            s_v, o_v, sem = bufs[c % 2]
            off = base + c * CH
            return (pltpu.async_copy(sT_hbm.at[:, pl.ds(off, CH)], s_v, sem),
                    pltpu.async_copy(oT_hbm.at[:, pl.ds(off, CH)], o_v, sem))

        pending = prefetch(0)
        pltpu.sync_copy(rel_hbm.at[pl.ds(base, BPW)], idx_v)

        @pl.when(sid == 0)
        def _():
            pltpu.sync_copy(tflat_hbm, shared_v)
        plsc.subcore_barrier()
        pltpu.sync_copy(shared_v, tflat_v)

        for c in range(NCH):
            s_v, o_v, _ = bufs[c % 2]
            nxt = prefetch(c + 1) if c + 1 < NCH else ()
            for h in pending:
                h.wait()
            pending = nxt

            def group_body(g, _, c=c, s_v=s_v, o_v=o_v):
                idx16 = idx_v[pl.ds(c * CH + g * L, L)]

                def dq_body(dq, accs, g=g, idx16=idx16, s_v=s_v, o_v=o_v):
                    d0 = dq * DU
                    accs = list(accs)
                    for j in range(DU):
                        sv = s_v[d0 + j, pl.ds(g * L, L)]
                        ov = o_v[d0 + j, pl.ds(g * L, L)]
                        rv = plsc.load_gather(tflat_v, [idx16 + (d0 + j) * TP])
                        accs[j % 4] = accs[j % 4] + sv * rv * ov
                    return tuple(accs)

                z = jnp.zeros((L,), jnp.float32)
                a0, a1, a2, a3 = lax.fori_loop(0, D // DU, dq_body,
                                               (z, z, z, z))
                out_v[pl.ds(c * CH + g * L, L)] = (a0 + a1) + (a2 + a3)
                return 0

            lax.fori_loop(0, CH // L, group_body, 0)

        pltpu.sync_copy(out_v, out_hbm.at[pl.ds(base, BPW)])

    return sc_kernel


_sc_kernel = _make_sc_kernel()


def kernel(subject_embeddings, object_embeddings, relations, relation_weight):
    tflat = relation_weight.T.reshape(D * TP)
    scores = _sc_kernel(subject_embeddings.T, object_embeddings.T,
                        relations.astype(jnp.int32), tflat)
    return scores.reshape(B, 1)

# --- scband reference (transcript-rebuilt; emitter-appended) ---
"""Pipeline reference for scband-dist-mult-decoder-88948772700839 (READ-ONLY COPY).

The authoritative reference and input builder live on the scoring server;
editing this copy changes nothing except your own understanding.
"""

import jax, jax.numpy as jnp
import numpy as np

B = 16384
D = 64
NUM_REL = 1000

def setup_inputs(seed: int = 0) -> dict:
    key = jax.random.key(seed)
    k1, k2, k3, k4 = jax.random.split(key, 4)
    subject_embeddings = jax.random.normal(k1, (B, D), dtype=jnp.float32)
    object_embeddings = jax.random.normal(k2, (B, D), dtype=jnp.float32)
    relations = jax.random.randint(k3, (B,), 0, NUM_REL, dtype=jnp.int64 if jax.config.jax_enable_x64 else jnp.int32)
    # xavier_normal_ init for embedding weight: std = sqrt(2/(fan_in+fan_out))
    std = float(np.sqrt(2.0 / (NUM_REL + D)))
    relation_weight = jax.random.normal(k4, (NUM_REL, D), dtype=jnp.float32) * std
    return {
        "subject_embeddings": subject_embeddings,
        "object_embeddings": object_embeddings,
        "relations": relations,
        "relation_weight": relation_weight,
    }

def reference(subject_embeddings, object_embeddings, relations, relation_weight):
    relation_embeddings = jnp.take(relation_weight, relations, axis=0)
    scores = jnp.sum(subject_embeddings * relation_embeddings * object_embeddings, axis=1, keepdims=True)
    return scores

if __name__ == "__main__":
    import jax
    _d = setup_inputs()
    print(jax.jit(kernel)(*tuple(_d.values())))

</pallas_src>

<mosaic_0001>
#map = affine_map<(d0, d1) -> (0, 0)>
#map1 = affine_map<(d0, d1) -> (0)>
module attributes {stable_mosaic.version = 14 : i64} {
  func.func @sc_kernel(%arg0: i32, %arg1: i32, %arg2: memref<64x16384xf32, #tpu.memory_space<hbm>>, %arg3: memref<64x16384xf32, #tpu.memory_space<hbm>>, %arg4: memref<16384xi32, #tpu.memory_space<hbm>>, %arg5: memref<64000xf32, #tpu.memory_space<hbm>>, %arg6: memref<16384xf32, #tpu.memory_space<hbm>>, %arg7: memref<64000xf32, #tpu.memory_space<vmem>>, %arg8: memref<512xi32, #tpu.memory_space<vmem>>, %arg9: memref<64x128xf32, #tpu.memory_space<vmem>>, %arg10: memref<64x128xf32, #tpu.memory_space<vmem>>, %arg11: memref<64x128xf32, #tpu.memory_space<vmem>>, %arg12: memref<64x128xf32, #tpu.memory_space<vmem>>, %arg13: memref<512xf32, #tpu.memory_space<vmem>>, %arg14: memref<64000xf32, #tpu.memory_space<vmem_shared>>, %arg15: memref<!tpu.dma_semaphore, #tpu.memory_space<semaphore_mem>>, %arg16: memref<!tpu.dma_semaphore, #tpu.memory_space<semaphore_mem>>) attributes {dimension_semantics = [#tpu.dimension_semantics<core_parallel>, #tpu.dimension_semantics<subcore_parallel>], iteration_bounds = array<i64: 2, 16>, scalar_prefetch = 0 : i64, scratch_operands = 10 : i64, tpu.core_type = #tpu.core_type<sc_vector_subcore>, window_params = [{transform_indices = #map}, {transform_indices = #map}, {transform_indices = #map1}, {transform_indices = #map1}, {transform_indices = #map1}]} {
    %mul3A = arith.constant 2 : i32
    %mul3A_0 = arith.muli %arg1, %mul3A : i32
    %add3A = arith.addi %mul3A_0, %arg0 : i32
    %mul3A_1 = arith.constant 512 : i32
    %mul3A_2 = arith.muli %add3A, %mul3A_1 : i32
    %add3A_3 = arith.constant 0 : i32
    %add3A_4 = arith.addi %mul3A_2, %add3A_3 : i32
    %dma_start3A = arith.constant 0 : i32
    %dma_start3A_5 = tpu.memref_slice %arg2[%dma_start3A, %add3A_4] : memref<64x16384xf32, #tpu.memory_space<hbm>> -> memref<64x128xf32, #tpu.memory_space<hbm>>
    %dma_start3A_6 = arith.constant 0 : i32
    %dma_start3A_7 = tpu.memref_slice %arg2[%dma_start3A_6, %add3A_4] : memref<64x16384xf32, #tpu.memory_space<hbm>> -> memref<64x128xf32, #tpu.memory_space<hbm>>
    tpu.enqueue_dma source(%dma_start3A_7 : memref<64x128xf32, #tpu.memory_space<hbm>>) target(%arg9 : memref<64x128xf32, #tpu.memory_space<vmem>>) target_semaphore(%arg15 : memref<!tpu.dma_semaphore, #tpu.memory_space<semaphore_mem>>)
    %dma_start3A_8 = arith.constant 0 : i32
    %dma_start3A_9 = tpu.memref_slice %arg3[%dma_start3A_8, %add3A_4] : memref<64x16384xf32, #tpu.memory_space<hbm>> -> memref<64x128xf32, #tpu.memory_space<hbm>>
    %dma_start3A_10 = arith.constant 0 : i32
    %dma_start3A_11 = tpu.memref_slice %arg3[%dma_start3A_10, %add3A_4] : memref<64x16384xf32, #tpu.memory_space<hbm>> -> memref<64x128xf32, #tpu.memory_space<hbm>>
    tpu.enqueue_dma source(%dma_start3A_11 : memref<64x128xf32, #tpu.memory_space<hbm>>) target(%arg10 : memref<64x128xf32, #tpu.memory_space<vmem>>) target_semaphore(%arg15 : memref<!tpu.dma_semaphore, #tpu.memory_space<semaphore_mem>>)
    "tpu.region"() ({
      %run_scoped3A = tpu.sem_alloc : memref<!tpu.dma_semaphore, #tpu.memory_space<semaphore_mem>>
      %dma_start3A_102 = tpu.memref_slice %arg4[%mul3A_2] : memref<16384xi32, #tpu.memory_space<hbm>> -> memref<512xi32, #tpu.memory_space<hbm>>
      %dma_start3A_103 = tpu.memref_slice %arg4[%mul3A_2] : memref<16384xi32, #tpu.memory_space<hbm>> -> memref<512xi32, #tpu.memory_space<hbm>>
      tpu.enqueue_dma source(%dma_start3A_103 : memref<512xi32, #tpu.memory_space<hbm>>) target(%arg8 : memref<512xi32, #tpu.memory_space<vmem>>) target_semaphore(%run_scoped3A : memref<!tpu.dma_semaphore, #tpu.memory_space<semaphore_mem>>)
      %dma_wait3A_104 = tpu.memref_slice %arg4[%mul3A_2] : memref<16384xi32, #tpu.memory_space<hbm>> -> memref<512xi32, #tpu.memory_space<hbm>>
      %dma_wait3A_105 = tpu.memref_slice %arg4[%mul3A_2] : memref<16384xi32, #tpu.memory_space<hbm>> -> memref<512xi32, #tpu.memory_space<hbm>>
      tpu.wait_dma2 semaphore(%run_scoped3A : memref<!tpu.dma_semaphore, #tpu.memory_space<semaphore_mem>>) src(%dma_wait3A_105 : memref<512xi32, #tpu.memory_space<hbm>>) dst(%arg8 : memref<512xi32, #tpu.memory_space<vmem>>)
      tpu.yield
    }) : () -> ()
    %eq3A = arith.constant 0 : i32
    %eq3A_12 = arith.cmpi eq, %arg1, %eq3A : i32
    %convert_element_type3A = arith.extui %eq3A_12 : i1 to i32
    %cond3A = arith.constant 0 : i32
    %cond3A_13 = arith.cmpi ne, %convert_element_type3A, %cond3A : i32
    scf.if %cond3A_13 {
      "tpu.region"() ({
        %run_scoped3A = tpu.sem_alloc : memref<!tpu.dma_semaphore, #tpu.memory_space<semaphore_mem>>
        tpu.enqueue_dma source(%arg5 : memref<64000xf32, #tpu.memory_space<hbm>>) target(%arg14 : memref<64000xf32, #tpu.memory_space<vmem_shared>>) target_semaphore(%run_scoped3A : memref<!tpu.dma_semaphore, #tpu.memory_space<semaphore_mem>>)
        tpu.wait_dma2 semaphore(%run_scoped3A : memref<!tpu.dma_semaphore, #tpu.memory_space<semaphore_mem>>) src(%arg5 : memref<64000xf32, #tpu.memory_space<hbm>>) dst(%arg14 : memref<64000xf32, #tpu.memory_space<vmem_shared>>)
        tpu.yield
      }) : () -> ()
    } else {
    }
    %barrier3A = arith.constant 0 : index
    tpu.barrier barrier_id(%barrier3A)
    "tpu.region"() ({
      %run_scoped3A = tpu.sem_alloc : memref<!tpu.dma_semaphore, #tpu.memory_space<semaphore_mem>>
      tpu.enqueue_dma source(%arg14 : memref<64000xf32, #tpu.memory_space<vmem_shared>>) target(%arg7 : memref<64000xf32, #tpu.memory_space<vmem>>) target_semaphore(%run_scoped3A : memref<!tpu.dma_semaphore, #tpu.memory_space<semaphore_mem>>)
      tpu.wait_dma2 semaphore(%run_scoped3A : memref<!tpu.dma_semaphore, #tpu.memory_space<semaphore_mem>>) src(%arg14 : memref<64000xf32, #tpu.memory_space<vmem_shared>>) dst(%arg7 : memref<64000xf32, #tpu.memory_space<vmem>>)
      tpu.yield
    }) : () -> ()
    %add3A_14 = arith.constant 128 : i32
    %add3A_15 = arith.addi %mul3A_2, %add3A_14 : i32
    %dma_start3A_16 = arith.constant 0 : i32
    %dma_start3A_17 = tpu.memref_slice %arg2[%dma_start3A_16, %add3A_15] : memref<64x16384xf32, #tpu.memory_space<hbm>> -> memref<64x128xf32, #tpu.memory_space<hbm>>
    %dma_start3A_18 = arith.constant 0 : i32
    %dma_start3A_19 = tpu.memref_slice %arg2[%dma_start3A_18, %add3A_15] : memref<64x16384xf32, #tpu.memory_space<hbm>> -> memref<64x128xf32, #tpu.memory_space<hbm>>
    tpu.enqueue_dma source(%dma_start3A_19 : memref<64x128xf32, #tpu.memory_space<hbm>>) target(%arg11 : memref<64x128xf32, #tpu.memory_space<vmem>>) target_semaphore(%arg16 : memref<!tpu.dma_semaphore, #tpu.memory_space<semaphore_mem>>)
    %dma_start3A_20 = arith.constant 0 : i32
    %dma_start3A_21 = tpu.memref_slice %arg3[%dma_start3A_20, %add3A_15] : memref<64x16384xf32, #tpu.memory_space<hbm>> -> memref<64x128xf32, #tpu.memory_space<hbm>>
    %dma_start3A_22 = arith.constant 0 : i32
    %dma_start3A_23 = tpu.memref_slice %arg3[%dma_start3A_22, %add3A_15] : memref<64x16384xf32, #tpu.memory_space<hbm>> -> memref<64x128xf32, #tpu.memory_space<hbm>>
    tpu.enqueue_dma source(%dma_start3A_23 : memref<64x128xf32, #tpu.memory_space<hbm>>) target(%arg12 : memref<64x128xf32, #tpu.memory_space<vmem>>) target_semaphore(%arg16 : memref<!tpu.dma_semaphore, #tpu.memory_space<semaphore_mem>>)
    %dma_wait3A = arith.constant 0 : i32
    %dma_wait3A_24 = tpu.memref_slice %arg2[%dma_wait3A, %add3A_4] : memref<64x16384xf32, #tpu.memory_space<hbm>> -> memref<64x128xf32, #tpu.memory_space<hbm>>
    %dma_wait3A_25 = arith.constant 0 : i32
    %dma_wait3A_26 = tpu.memref_slice %arg2[%dma_wait3A_25, %add3A_4] : memref<64x16384xf32, #tpu.memory_space<hbm>> -> memref<64x128xf32, #tpu.memory_space<hbm>>
    tpu.wait_dma2 semaphore(%arg15 : memref<!tpu.dma_semaphore, #tpu.memory_space<semaphore_mem>>) src(%dma_wait3A_26 : memref<64x128xf32, #tpu.memory_space<hbm>>) dst(%arg9 : memref<64x128xf32, #tpu.memory_space<vmem>>)
    %dma_wait3A_27 = arith.constant 0 : i32
    %dma_wait3A_28 = tpu.memref_slice %arg3[%dma_wait3A_27, %add3A_4] : memref<64x16384xf32, #tpu.memory_space<hbm>> -> memref<64x128xf32, #tpu.memory_space<hbm>>
    %dma_wait3A_29 = arith.constant 0 : i32
    %dma_wait3A_30 = tpu.memref_slice %arg3[%dma_wait3A_29, %add3A_4] : memref<64x16384xf32, #tpu.memory_space<hbm>> -> memref<64x128xf32, #tpu.memory_space<hbm>>
    tpu.wait_dma2 semaphore(%arg15 : memref<!tpu.dma_semaphore, #tpu.memory_space<semaphore_mem>>) src(%dma_wait3A_30 : memref<64x128xf32, #tpu.memory_space<hbm>>) dst(%arg10 : memref<64x128xf32, #tpu.memory_space<vmem>>)
    %scan3A = arith.constant 0 : i32
    %scan3A_31 = arith.constant 0 : i32
    %scan3A_32 = arith.constant 8 : i32
    %scan3A_33 = arith.addi %scan3A_31, %scan3A_32 : i32
    %scan3A_34 = arith.constant 1 : i32
    %scan3A_35 = scf.for %scan3A_102 = %scan3A_31 to %scan3A_33 step %scan3A_34 iter_args(%scan3A_103 = %scan3A) -> (i32)  : i32 {
      %mul3A_104 = arith.constant 16 : i32
      %mul3A_105 = arith.muli %scan3A_102, %mul3A_104 : i32
      %add3A_106 = arith.constant 0 : i32
      %add3A_107 = arith.addi %add3A_106, %mul3A_105 : i32
      %get3A = arith.index_cast %add3A_107 : i32 to index
      %get3A_108 = tpu.vector_load %arg8[%get3A] {strides = array<i32>} : memref<512xi32, #tpu.memory_space<vmem>>, vector<16xi32>,
      %broadcast_in_dim3A = arith.constant 0.000000e+00 : f32
      %broadcast_in_dim3A_109 = vector.broadcast %broadcast_in_dim3A : f32 to vector<16xf32>
      %scan3A_110 = arith.constant 0 : i32
      %scan3A_111 = arith.constant 8 : i32
      %scan3A_112 = arith.addi %scan3A_110, %scan3A_111 : i32
      %scan3A_113 = arith.constant 1 : i32
      %scan3A_114:4 = scf.for %scan3A_125 = %scan3A_110 to %scan3A_112 step %scan3A_113 iter_args(%scan3A_126 = %broadcast_in_dim3A_109, %scan3A_127 = %broadcast_in_dim3A_109, %scan3A_128 = %broadcast_in_dim3A_109, %scan3A_129 = %broadcast_in_dim3A_109) -> (vector<16xf32>, vector<16xf32>, vector<16xf32>, vector<16xf32>)  : i32 {
        %mul3A_130 = arith.constant 8 : i32
        %mul3A_131 = arith.muli %scan3A_125, %mul3A_130 : i32
        %add3A_132 = arith.constant 0 : i32
        %add3A_133 = arith.addi %mul3A_131, %add3A_132 : i32
        %mul3A_134 = arith.constant 16 : i32
        %mul3A_135 = arith.muli %scan3A_102, %mul3A_134 : i32
        %get3A_136 = arith.index_cast %add3A_133 : i32 to index
        %get3A_137 = arith.index_cast %mul3A_135 : i32 to index
        %get3A_138 = tpu.vector_load %arg9[%get3A_136, %get3A_137] {strides = array<i32>} : memref<64x128xf32, #tpu.memory_space<vmem>>, vector<16xf32>,
        %add3A_139 = arith.constant 0 : i32
        %add3A_140 = arith.addi %mul3A_131, %add3A_139 : i32
        %mul3A_141 = arith.constant 16 : i32
        %mul3A_142 = arith.muli %scan3A_102, %mul3A_141 : i32
        %get3A_143 = arith.index_cast %add3A_140 : i32 to index
        %get3A_144 = arith.index_cast %mul3A_142 : i32 to index
        %get3A_145 = tpu.vector_load %arg10[%get3A_143, %get3A_144] {strides = array<i32>} : memref<64x128xf32, #tpu.memory_space<vmem>>, vector<16xf32>,
        %add3A_146 = arith.constant 0 : i32
        %add3A_147 = arith.addi %mul3A_131, %add3A_146 : i32
        %mul3A_148 = arith.constant 1000 : i32
        %mul3A_149 = arith.muli %add3A_147, %mul3A_148 : i32
        %add3A_150 = vector.broadcast %mul3A_149 : i32 to vector<16xi32>
        %add3A_151 = arith.addi %get3A_108, %add3A_150 : vector<16xi32>
        %gather3A = tpu.vector_load_idx %arg7[%add3A_151] : memref<64000xf32, #tpu.memory_space<vmem>>[vector<16xi32>], vector<16xf32>,
        %mul3A_152 = arith.mulf %get3A_138, %gather3A : vector<16xf32>
        %mul3A_153 = arith.mulf %mul3A_152, %get3A_145 : vector<16xf32>
        %add3A_154 = arith.addf %scan3A_126, %mul3A_153 : vector<16xf32>
        %add3A_155 = arith.constant 1 : i32
        %add3A_156 = arith.addi %mul3A_131, %add3A_155 : i32
        %mul3A_157 = arith.constant 16 : i32
        %mul3A_158 = arith.muli %scan3A_102, %mul3A_157 : i32
        %get3A_159 = arith.index_cast %add3A_156 : i32 to index
        %get3A_160 = arith.index_cast %mul3A_158 : i32 to index
        %get3A_161 = tpu.vector_load %arg9[%get3A_159, %get3A_160] {strides = array<i32>} : memref<64x128xf32, #tpu.memory_space<vmem>>, vector<16xf32>,
        %add3A_162 = arith.constant 1 : i32
        %add3A_163 = arith.addi %mul3A_131, %add3A_162 : i32
        %mul3A_164 = arith.constant 16 : i32
        %mul3A_165 = arith.muli %scan3A_102, %mul3A_164 : i32
        %get3A_166 = arith.index_cast %add3A_163 : i32 to index
        %get3A_167 = arith.index_cast %mul3A_165 : i32 to index
        %get3A_168 = tpu.vector_load %arg10[%get3A_166, %get3A_167] {strides = array<i32>} : memref<64x128xf32, #tpu.memory_space<vmem>>, vector<16xf32>,
        %add3A_169 = arith.constant 1 : i32
        %add3A_170 = arith.addi %mul3A_131, %add3A_169 : i32
        %mul3A_171 = arith.constant 1000 : i32
        %mul3A_172 = arith.muli %add3A_170, %mul3A_171 : i32
        %add3A_173 = vector.broadcast %mul3A_172 : i32 to vector<16xi32>
        %add3A_174 = arith.addi %get3A_108, %add3A_173 : vector<16xi32>
        %gather3A_175 = tpu.vector_load_idx %arg7[%add3A_174] : memref<64000xf32, #tpu.memory_space<vmem>>[vector<16xi32>], vector<16xf32>,
        %mul3A_176 = arith.mulf %get3A_161, %gather3A_175 : vector<16xf32>
        %mul3A_177 = arith.mulf %mul3A_176, %get3A_168 : vector<16xf32>
        %add3A_178 = arith.addf %scan3A_127, %mul3A_177 : vector<16xf32>
        %add3A_179 = arith.constant 2 : i32
        %add3A_180 = arith.addi %mul3A_131, %add3A_179 : i32
        %mul3A_181 = arith.constant 16 : i32
        %mul3A_182 = arith.muli %scan3A_102, %mul3A_181 : i32
        %get3A_183 = arith.index_cast %add3A_180 : i32 to index
        %get3A_184 = arith.index_cast %mul3A_182 : i32 to index
        %get3A_185 = tpu.vector_load %arg9[%get3A_183, %get3A_184] {strides = array<i32>} : memref<64x128xf32, #tpu.memory_space<vmem>>, vector<16xf32>,
        %add3A_186 = arith.constant 2 : i32
        %add3A_187 = arith.addi %mul3A_131, %add3A_186 : i32
        %mul3A_188 = arith.constant 16 : i32
        %mul3A_189 = arith.muli %scan3A_102, %mul3A_188 : i32
        %get3A_190 = arith.index_cast %add3A_187 : i32 to index
        %get3A_191 = arith.index_cast %mul3A_189 : i32 to index
        %get3A_192 = tpu.vector_load %arg10[%get3A_190, %get3A_191] {strides = array<i32>} : memref<64x128xf32, #tpu.memory_space<vmem>>, vector<16xf32>,
        %add3A_193 = arith.constant 2 : i32
        %add3A_194 = arith.addi %mul3A_131, %add3A_193 : i32
        %mul3A_195 = arith.constant 1000 : i32
        %mul3A_196 = arith.muli %add3A_194, %mul3A_195 : i32
        %add3A_197 = vector.broadcast %mul3A_196 : i32 to vector<16xi32>
        %add3A_198 = arith.addi %get3A_108, %add3A_197 : vector<16xi32>
        %gather3A_199 = tpu.vector_load_idx %arg7[%add3A_198] : memref<64000xf32, #tpu.memory_space<vmem>>[vector<16xi32>], vector<16xf32>,
        %mul3A_200 = arith.mulf %get3A_185, %gather3A_199 : vector<16xf32>
        %mul3A_201 = arith.mulf %mul3A_200, %get3A_192 : vector<16xf32>
        %add3A_202 = arith.addf %scan3A_128, %mul3A_201 : vector<16xf32>
        %add3A_203 = arith.constant 3 : i32
        %add3A_204 = arith.addi %mul3A_131, %add3A_203 : i32
        %mul3A_205 = arith.constant 16 : i32
        %mul3A_206 = arith.muli %scan3A_102, %mul3A_205 : i32
        %get3A_207 = arith.index_cast %add3A_204 : i32 to index
        %get3A_208 = arith.index_cast %mul3A_206 : i32 to index
        %get3A_209 = tpu.vector_load %arg9[%get3A_207, %get3A_208] {strides = array<i32>} : memref<64x128xf32, #tpu.memory_space<vmem>>, vector<16xf32>,
        %add3A_210 = arith.constant 3 : i32
        %add3A_211 = arith.addi %mul3A_131, %add3A_210 : i32
        %mul3A_212 = arith.constant 16 : i32
        %mul3A_213 = arith.muli %scan3A_102, %mul3A_212 : i32
        %get3A_214 = arith.index_cast %add3A_211 : i32 to index
        %get3A_215 = arith.index_cast %mul3A_213 : i32 to index
        %get3A_216 = tpu.vector_load %arg10[%get3A_214, %get3A_215] {strides = array<i32>} : memref<64x128xf32, #tpu.memory_space<vmem>>, vector<16xf32>,
        %add3A_217 = arith.constant 3 : i32
        %add3A_218 = arith.addi %mul3A_131, %add3A_217 : i32
        %mul3A_219 = arith.constant 1000 : i32
        %mul3A_220 = arith.muli %add3A_218, %mul3A_219 : i32
        %add3A_221 = vector.broadcast %mul3A_220 : i32 to vector<16xi32>
        %add3A_222 = arith.addi %get3A_108, %add3A_221 : vector<16xi32>
        %gather3A_223 = tpu.vector_load_idx %arg7[%add3A_222] : memref<64000xf32, #tpu.memory_space<vmem>>[vector<16xi32>], vector<16xf32>,
        %mul3A_224 = arith.mulf %get3A_209, %gather3A_223 : vector<16xf32>
        %mul3A_225 = arith.mulf %mul3A_224, %get3A_216 : vector<16xf32>
        %add3A_226 = arith.addf %scan3A_129, %mul3A_225 : vector<16xf32>
        %add3A_227 = arith.constant 4 : i32
        %add3A_228 = arith.addi %mul3A_131, %add3A_227 : i32
        %mul3A_229 = arith.constant 16 : i32
        %mul3A_230 = arith.muli %scan3A_102, %mul3A_229 : i32
        %get3A_231 = arith.index_cast %add3A_228 : i32 to index
        %get3A_232 = arith.index_cast %mul3A_230 : i32 to index
        %get3A_233 = tpu.vector_load %arg9[%get3A_231, %get3A_232] {strides = array<i32>} : memref<64x128xf32, #tpu.memory_space<vmem>>, vector<16xf32>,
        %add3A_234 = arith.constant 4 : i32
        %add3A_235 = arith.addi %mul3A_131, %add3A_234 : i32
        %mul3A_236 = arith.constant 16 : i32
        %mul3A_237 = arith.muli %scan3A_102, %mul3A_236 : i32
        %get3A_238 = arith.index_cast %add3A_235 : i32 to index
        %get3A_239 = arith.index_cast %mul3A_237 : i32 to index
        %get3A_240 = tpu.vector_load %arg10[%get3A_238, %get3A_239] {strides = array<i32>} : memref<64x128xf32, #tpu.memory_space<vmem>>, vector<16xf32>,
        %add3A_241 = arith.constant 4 : i32
        %add3A_242 = arith.addi %mul3A_131, %add3A_241 : i32
        %mul3A_243 = arith.constant 1000 : i32
        %mul3A_244 = arith.muli %add3A_242, %mul3A_243 : i32
        %add3A_245 = vector.broadcast %mul3A_244 : i32 to vector<16xi32>
        %add3A_246 = arith.addi %get3A_108, %add3A_245 : vector<16xi32>
        %gather3A_247 = tpu.vector_load_idx %arg7[%add3A_246] : memref<64000xf32, #tpu.memory_space<vmem>>[vector<16xi32>], vector<16xf32>,
        %mul3A_248 = arith.mulf %get3A_233, %gather3A_247 : vector<16xf32>
        %mul3A_249 = arith.mulf %mul3A_248, %get3A_240 : vector<16xf32>
        %add3A_250 = arith.addf %add3A_154, %mul3A_249 : vector<16xf32>
        %add3A_251 = arith.constant 5 : i32
        %add3A_252 = arith.addi %mul3A_131, %add3A_251 : i32
        %mul3A_253 = arith.constant 16 : i32
        %mul3A_254 = arith.muli %scan3A_102, %mul3A_253 : i32
        %get3A_255 = arith.index_cast %add3A_252 : i32 to index
        %get3A_256 = arith.index_cast %mul3A_254 : i32 to index
        %get3A_257 = tpu.vector_load %arg9[%get3A_255, %get3A_256] {strides = array<i32>} : memref<64x128xf32, #tpu.memory_space<vmem>>, vector<16xf32>,
        %add3A_258 = arith.constant 5 : i32
        %add3A_259 = arith.addi %mul3A_131, %add3A_258 : i32
        %mul3A_260 = arith.constant 16 : i32
        %mul3A_261 = arith.muli %scan3A_102, %mul3A_260 : i32
        %get3A_262 = arith.index_cast %add3A_259 : i32 to index
        %get3A_263 = arith.index_cast %mul3A_261 : i32 to index
        %get3A_264 = tpu.vector_load %arg10[%get3A_262, %get3A_263] {strides = array<i32>} : memref<64x128xf32, #tpu.memory_space<vmem>>, vector<16xf32>,
        %add3A_265 = arith.constant 5 : i32
        %add3A_266 = arith.addi %mul3A_131, %add3A_265 : i32
        %mul3A_267 = arith.constant 1000 : i32
        %mul3A_268 = arith.muli %add3A_266, %mul3A_267 : i32
        %add3A_269 = vector.broadcast %mul3A_268 : i32 to vector<16xi32>
        %add3A_270 = arith.addi %get3A_108, %add3A_269 : vector<16xi32>
        %gather3A_271 = tpu.vector_load_idx %arg7[%add3A_270] : memref<64000xf32, #tpu.memory_space<vmem>>[vector<16xi32>], vector<16xf32>,
        %mul3A_272 = arith.mulf %get3A_257, %gather3A_271 : vector<16xf32>
        %mul3A_273 = arith.mulf %mul3A_272, %get3A_264 : vector<16xf32>
        %add3A_274 = arith.addf %add3A_178, %mul3A_273 : vector<16xf32>
        %add3A_275 = arith.constant 6 : i32
        %add3A_276 = arith.addi %mul3A_131, %add3A_275 : i32
        %mul3A_277 = arith.constant 16 : i32
        %mul3A_278 = arith.muli %scan3A_102, %mul3A_277 : i32
        %get3A_279 = arith.index_cast %add3A_276 : i32 to index
        %get3A_280 = arith.index_cast %mul3A_278 : i32 to index
        %get3A_281 = tpu.vector_load %arg9[%get3A_279, %get3A_280] {strides = array<i32>} : memref<64x128xf32, #tpu.memory_space<vmem>>, vector<16xf32>,
        %add3A_282 = arith.constant 6 : i32
        %add3A_283 = arith.addi %mul3A_131, %add3A_282 : i32
        %mul3A_284 = arith.constant 16 : i32
        %mul3A_285 = arith.muli %scan3A_102, %mul3A_284 : i32
        %get3A_286 = arith.index_cast %add3A_283 : i32 to index
        %get3A_287 = arith.index_cast %mul3A_285 : i32 to index
        %get3A_288 = tpu.vector_load %arg10[%get3A_286, %get3A_287] {strides = array<i32>} : memref<64x128xf32, #tpu.memory_space<vmem>>, vector<16xf32>,
        %add3A_289 = arith.constant 6 : i32
        %add3A_290 = arith.addi %mul3A_131, %add3A_289 : i32
        %mul3A_291 = arith.constant 1000 : i32
        %mul3A_292 = arith.muli %add3A_290, %mul3A_291 : i32
        %add3A_293 = vector.broadcast %mul3A_292 : i32 to vector<16xi32>
        %add3A_294 = arith.addi %get3A_108, %add3A_293 : vector<16xi32>
        %gather3A_295 = tpu.vector_load_idx %arg7[%add3A_294] : memref<64000xf32, #tpu.memory_space<vmem>>[vector<16xi32>], vector<16xf32>,
        %mul3A_296 = arith.mulf %get3A_281, %gather3A_295 : vector<16xf32>
        %mul3A_297 = arith.mulf %mul3A_296, %get3A_288 : vector<16xf32>
        %add3A_298 = arith.addf %add3A_202, %mul3A_297 : vector<16xf32>
        %add3A_299 = arith.constant 7 : i32
        %add3A_300 = arith.addi %mul3A_131, %add3A_299 : i32
        %mul3A_301 = arith.constant 16 : i32
        %mul3A_302 = arith.muli %scan3A_102, %mul3A_301 : i32
        %get3A_303 = arith.index_cast %add3A_300 : i32 to index
        %get3A_304 = arith.index_cast %mul3A_302 : i32 to index
        %get3A_305 = tpu.vector_load %arg9[%get3A_303, %get3A_304] {strides = array<i32>} : memref<64x128xf32, #tpu.memory_space<vmem>>, vector<16xf32>,
        %add3A_306 = arith.constant 7 : i32
        %add3A_307 = arith.addi %mul3A_131, %add3A_306 : i32
        %mul3A_308 = arith.constant 16 : i32
        %mul3A_309 = arith.muli %scan3A_102, %mul3A_308 : i32
        %get3A_310 = arith.index_cast %add3A_307 : i32 to index
        %get3A_311 = arith.index_cast %mul3A_309 : i32 to index
        %get3A_312 = tpu.vector_load %arg10[%get3A_310, %get3A_311] {strides = array<i32>} : memref<64x128xf32, #tpu.memory_space<vmem>>, vector<16xf32>,
        %add3A_313 = arith.constant 7 : i32
        %add3A_314 = arith.addi %mul3A_131, %add3A_313 : i32
        %mul3A_315 = arith.constant 1000 : i32
        %mul3A_316 = arith.muli %add3A_314, %mul3A_315 : i32
        %add3A_317 = vector.broadcast %mul3A_316 : i32 to vector<16xi32>
        %add3A_318 = arith.addi %get3A_108, %add3A_317 : vector<16xi32>
        %gather3A_319 = tpu.vector_load_idx %arg7[%add3A_318] : memref<64000xf32, #tpu.memory_space<vmem>>[vector<16xi32>], vector<16xf32>,
        %mul3A_320 = arith.mulf %get3A_305, %gather3A_319 : vector<16xf32>
        %mul3A_321 = arith.mulf %mul3A_320, %get3A_312 : vector<16xf32>
        %add3A_322 = arith.addf %add3A_226, %mul3A_321 : vector<16xf32>
        scf.yield %add3A_250, %add3A_274, %add3A_298, %add3A_322 : vector<16xf32>, vector<16xf32>, vector<16xf32>, vector<16xf32>
      }
      %scan3A_115 = arith.constant 8 : i32
      %add3A_116 = arith.addf %scan3A_114#0, %scan3A_114#1 : vector<16xf32>
      %add3A_117 = arith.addf %scan3A_114#2, %scan3A_114#3 : vector<16xf32>
      %add3A_118 = arith.addf %add3A_116, %add3A_117 : vector<16xf32>
      %mul3A_119 = arith.constant 16 : i32
      %mul3A_120 = arith.muli %scan3A_102, %mul3A_119 : i32
      %add3A_121 = arith.constant 0 : i32
      %add3A_122 = arith.addi %add3A_121, %mul3A_120 : i32
      %swap3A = arith.index_cast %add3A_122 : i32 to index
      %swap3A_123 = tpu.vector_load %arg13[%swap3A] {strides = array<i32>} : memref<512xf32, #tpu.memory_space<vmem>>, vector<16xf32>,
      tpu.vector_store %arg13[%swap3A], %add3A_118 {strides = array<i32>} : memref<512xf32, #tpu.memory_space<vmem>>, vector<16xf32>,
      %scan3A_124 = arith.constant 0 : i32
      scf.yield %scan3A_124 : i32
    }
    %scan3A_36 = arith.constant 8 : i32
    %add3A_37 = arith.constant 256 : i32
    %add3A_38 = arith.addi %mul3A_2, %add3A_37 : i32
    %dma_start3A_39 = arith.constant 0 : i32
    %dma_start3A_40 = tpu.memref_slice %arg2[%dma_start3A_39, %add3A_38] : memref<64x16384xf32, #tpu.memory_space<hbm>> -> memref<64x128xf32, #tpu.memory_space<hbm>>
    %dma_start3A_41 = arith.constant 0 : i32
    %dma_start3A_42 = tpu.memref_slice %arg2[%dma_start3A_41, %add3A_38] : memref<64x16384xf32, #tpu.memory_space<hbm>> -> memref<64x128xf32, #tpu.memory_space<hbm>>
    tpu.enqueue_dma source(%dma_start3A_42 : memref<64x128xf32, #tpu.memory_space<hbm>>) target(%arg9 : memref<64x128xf32, #tpu.memory_space<vmem>>) target_semaphore(%arg15 : memref<!tpu.dma_semaphore, #tpu.memory_space<semaphore_mem>>)
    %dma_start3A_43 = arith.constant 0 : i32
    %dma_start3A_44 = tpu.memref_slice %arg3[%dma_start3A_43, %add3A_38] : memref<64x16384xf32, #tpu.memory_space<hbm>> -> memref<64x128xf32, #tpu.memory_space<hbm>>
    %dma_start3A_45 = arith.constant 0 : i32
    %dma_start3A_46 = tpu.memref_slice %arg3[%dma_start3A_45, %add3A_38] : memref<64x16384xf32, #tpu.memory_space<hbm>> -> memref<64x128xf32, #tpu.memory_space<hbm>>
    tpu.enqueue_dma source(%dma_start3A_46 : memref<64x128xf32, #tpu.memory_space<hbm>>) target(%arg10 : memref<64x128xf32, #tpu.memory_space<vmem>>) target_semaphore(%arg15 : memref<!tpu.dma_semaphore, #tpu.memory_space<semaphore_mem>>)
    %dma_wait3A_47 = arith.constant 0 : i32
    %dma_wait3A_48 = tpu.memref_slice %arg2[%dma_wait3A_47, %add3A_15] : memref<64x16384xf32, #tpu.memory_space<hbm>> -> memref<64x128xf32, #tpu.memory_space<hbm>>
    %dma_wait3A_49 = arith.constant 0 : i32
    %dma_wait3A_50 = tpu.memref_slice %arg2[%dma_wait3A_49, %add3A_15] : memref<64x16384xf32, #tpu.memory_space<hbm>> -> memref<64x128xf32, #tpu.memory_space<hbm>>
    tpu.wait_dma2 semaphore(%arg16 : memref<!tpu.dma_semaphore, #tpu.memory_space<semaphore_mem>>) src(%dma_wait3A_50 : memref<64x128xf32, #tpu.memory_space<hbm>>) dst(%arg11 : memref<64x128xf32, #tpu.memory_space<vmem>>)
    %dma_wait3A_51 = arith.constant 0 : i32
    %dma_wait3A_52 = tpu.memref_slice %arg3[%dma_wait3A_51, %add3A_15] : memref<64x16384xf32, #tpu.memory_space<hbm>> -> memref<64x128xf32, #tpu.memory_space<hbm>>
    %dma_wait3A_53 = arith.constant 0 : i32
    %dma_wait3A_54 = tpu.memref_slice %arg3[%dma_wait3A_53, %add3A_15] : memref<64x16384xf32, #tpu.memory_space<hbm>> -> memref<64x128xf32, #tpu.memory_space<hbm>>
    tpu.wait_dma2 semaphore(%arg16 : memref<!tpu.dma_semaphore, #tpu.memory_space<semaphore_mem>>) src(%dma_wait3A_54 : memref<64x128xf32, #tpu.memory_space<hbm>>) dst(%arg12 : memref<64x128xf32, #tpu.memory_space<vmem>>)
    %scan3A_55 = arith.constant 0 : i32
    %scan3A_56 = arith.constant 0 : i32
    %scan3A_57 = arith.constant 8 : i32
    %scan3A_58 = arith.addi %scan3A_56, %scan3A_57 : i32
    %scan3A_59 = arith.constant 1 : i32
    %scan3A_60 = scf.for %scan3A_102 = %scan3A_56 to %scan3A_58 step %scan3A_59 iter_args(%scan3A_103 = %scan3A_55) -> (i32)  : i32 {
      %mul3A_104 = arith.constant 16 : i32
      %mul3A_105 = arith.muli %scan3A_102, %mul3A_104 : i32
      %add3A_106 = arith.constant 128 : i32
      %add3A_107 = arith.addi %add3A_106, %mul3A_105 : i32
      %get3A = arith.index_cast %add3A_107 : i32 to index
      %get3A_108 = tpu.vector_load %arg8[%get3A] {strides = array<i32>} : memref<512xi32, #tpu.memory_space<vmem>>, vector<16xi32>,
      %broadcast_in_dim3A = arith.constant 0.000000e+00 : f32
      %broadcast_in_dim3A_109 = vector.broadcast %broadcast_in_dim3A : f32 to vector<16xf32>
      %scan3A_110 = arith.constant 0 : i32
      %scan3A_111 = arith.constant 8 : i32
      %scan3A_112 = arith.addi %scan3A_110, %scan3A_111 : i32
      %scan3A_113 = arith.constant 1 : i32
      %scan3A_114:4 = scf.for %scan3A_125 = %scan3A_110 to %scan3A_112 step %scan3A_113 iter_args(%scan3A_126 = %broadcast_in_dim3A_109, %scan3A_127 = %broadcast_in_dim3A_109, %scan3A_128 = %broadcast_in_dim3A_109, %scan3A_129 = %broadcast_in_dim3A_109) -> (vector<16xf32>, vector<16xf32>, vector<16xf32>, vector<16xf32>)  : i32 {
        %mul3A_130 = arith.constant 8 : i32
        %mul3A_131 = arith.muli %scan3A_125, %mul3A_130 : i32
        %add3A_132 = arith.constant 0 : i32
        %add3A_133 = arith.addi %mul3A_131, %add3A_132 : i32
        %mul3A_134 = arith.constant 16 : i32
        %mul3A_135 = arith.muli %scan3A_102, %mul3A_134 : i32
        %get3A_136 = arith.index_cast %add3A_133 : i32 to index
        %get3A_137 = arith.index_cast %mul3A_135 : i32 to index
        %get3A_138 = tpu.vector_load %arg11[%get3A_136, %get3A_137] {strides = array<i32>} : memref<64x128xf32, #tpu.memory_space<vmem>>, vector<16xf32>,
        %add3A_139 = arith.constant 0 : i32
        %add3A_140 = arith.addi %mul3A_131, %add3A_139 : i32
        %mul3A_141 = arith.constant 16 : i32
        %mul3A_142 = arith.muli %scan3A_102, %mul3A_141 : i32
        %get3A_143 = arith.index_cast %add3A_140 : i32 to index
        %get3A_144 = arith.index_cast %mul3A_142 : i32 to index
        %get3A_145 = tpu.vector_load %arg12[%get3A_143, %get3A_144] {strides = array<i32>} : memref<64x128xf32, #tpu.memory_space<vmem>>, vector<16xf32>,
        %add3A_146 = arith.constant 0 : i32
        %add3A_147 = arith.addi %mul3A_131, %add3A_146 : i32
        %mul3A_148 = arith.constant 1000 : i32
        %mul3A_149 = arith.muli %add3A_147, %mul3A_148 : i32
        %add3A_150 = vector.broadcast %mul3A_149 : i32 to vector<16xi32>
        %add3A_151 = arith.addi %get3A_108, %add3A_150 : vector<16xi32>
        %gather3A = tpu.vector_load_idx %arg7[%add3A_151] : memref<64000xf32, #tpu.memory_space<vmem>>[vector<16xi32>], vector<16xf32>,
        %mul3A_152 = arith.mulf %get3A_138, %gather3A : vector<16xf32>
        %mul3A_153 = arith.mulf %mul3A_152, %get3A_145 : vector<16xf32>
        %add3A_154 = arith.addf %scan3A_126, %mul3A_153 : vector<16xf32>
        %add3A_155 = arith.constant 1 : i32
        %add3A_156 = arith.addi %mul3A_131, %add3A_155 : i32
        %mul3A_157 = arith.constant 16 : i32
        %mul3A_158 = arith.muli %scan3A_102, %mul3A_157 : i32
        %get3A_159 = arith.index_cast %add3A_156 : i32 to index
        %get3A_160 = arith.index_cast %mul3A_158 : i32 to index
        %get3A_161 = tpu.vector_load %arg11[%get3A_159, %get3A_160] {strides = array<i32>} : memref<64x128xf32, #tpu.memory_space<vmem>>, vector<16xf32>,
        %add3A_162 = arith.constant 1 : i32
        %add3A_163 = arith.addi %mul3A_131, %add3A_162 : i32
        %mul3A_164 = arith.constant 16 : i32
        %mul3A_165 = arith.muli %scan3A_102, %mul3A_164 : i32
        %get3A_166 = arith.index_cast %add3A_163 : i32 to index
        %get3A_167 = arith.index_cast %mul3A_165 : i32 to index
        %get3A_168 = tpu.vector_load %arg12[%get3A_166, %get3A_167] {strides = array<i32>} : memref<64x128xf32, #tpu.memory_space<vmem>>, vector<16xf32>,
        %add3A_169 = arith.constant 1 : i32
        %add3A_170 = arith.addi %mul3A_131, %add3A_169 : i32
        %mul3A_171 = arith.constant 1000 : i32
        %mul3A_172 = arith.muli %add3A_170, %mul3A_171 : i32
        %add3A_173 = vector.broadcast %mul3A_172 : i32 to vector<16xi32>
        %add3A_174 = arith.addi %get3A_108, %add3A_173 : vector<16xi32>
        %gather3A_175 = tpu.vector_load_idx %arg7[%add3A_174] : memref<64000xf32, #tpu.memory_space<vmem>>[vector<16xi32>], vector<16xf32>,
        %mul3A_176 = arith.mulf %get3A_161, %gather3A_175 : vector<16xf32>
        %mul3A_177 = arith.mulf %mul3A_176, %get3A_168 : vector<16xf32>
        %add3A_178 = arith.addf %scan3A_127, %mul3A_177 : vector<16xf32>
        %add3A_179 = arith.constant 2 : i32
        %add3A_180 = arith.addi %mul3A_131, %add3A_179 : i32
        %mul3A_181 = arith.constant 16 : i32
        %mul3A_182 = arith.muli %scan3A_102, %mul3A_181 : i32
        %get3A_183 = arith.index_cast %add3A_180 : i32 to index
        %get3A_184 = arith.index_cast %mul3A_182 : i32 to index
        %get3A_185 = tpu.vector_load %arg11[%get3A_183, %get3A_184] {strides = array<i32>} : memref<64x128xf32, #tpu.memory_space<vmem>>, vector<16xf32>,
        %add3A_186 = arith.constant 2 : i32
        %add3A_187 = arith.addi %mul3A_131, %add3A_186 : i32
        %mul3A_188 = arith.constant 16 : i32
        %mul3A_189 = arith.muli %scan3A_102, %mul3A_188 : i32
        %get3A_190 = arith.index_cast %add3A_187 : i32 to index
        %get3A_191 = arith.index_cast %mul3A_189 : i32 to index
        %get3A_192 = tpu.vector_load %arg12[%get3A_190, %get3A_191] {strides = array<i32>} : memref<64x128xf32, #tpu.memory_space<vmem>>, vector<16xf32>,
        %add3A_193 = arith.constant 2 : i32
        %add3A_194 = arith.addi %mul3A_131, %add3A_193 : i32
        %mul3A_195 = arith.constant 1000 : i32
        %mul3A_196 = arith.muli %add3A_194, %mul3A_195 : i32
        %add3A_197 = vector.broadcast %mul3A_196 : i32 to vector<16xi32>
        %add3A_198 = arith.addi %get3A_108, %add3A_197 : vector<16xi32>
        %gather3A_199 = tpu.vector_load_idx %arg7[%add3A_198] : memref<64000xf32, #tpu.memory_space<vmem>>[vector<16xi32>], vector<16xf32>,
        %mul3A_200 = arith.mulf %get3A_185, %gather3A_199 : vector<16xf32>
        %mul3A_201 = arith.mulf %mul3A_200, %get3A_192 : vector<16xf32>
        %add3A_202 = arith.addf %scan3A_128, %mul3A_201 : vector<16xf32>
        %add3A_203 = arith.constant 3 : i32
        %add3A_204 = arith.addi %mul3A_131, %add3A_203 : i32
        %mul3A_205 = arith.constant 16 : i32
        %mul3A_206 = arith.muli %scan3A_102, %mul3A_205 : i32
        %get3A_207 = arith.index_cast %add3A_204 : i32 to index
        %get3A_208 = arith.index_cast %mul3A_206 : i32 to index
        %get3A_209 = tpu.vector_load %arg11[%get3A_207, %get3A_208] {strides = array<i32>} : memref<64x128xf32, #tpu.memory_space<vmem>>, vector<16xf32>,
        %add3A_210 = arith.constant 3 : i32
        %add3A_211 = arith.addi %mul3A_131, %add3A_210 : i32
        %mul3A_212 = arith.constant 16 : i32
        %mul3A_213 = arith.muli %scan3A_102, %mul3A_212 : i32
        %get3A_214 = arith.index_cast %add3A_211 : i32 to index
        %get3A_215 = arith.index_cast %mul3A_213 : i32 to index
        %get3A_216 = tpu.vector_load %arg12[%get3A_214, %get3A_215] {strides = array<i32>} : memref<64x128xf32, #tpu.memory_space<vmem>>, vector<16xf32>,
        %add3A_217 = arith.constant 3 : i32
        %add3A_218 = arith.addi %mul3A_131, %add3A_217 : i32
        %mul3A_219 = arith.constant 1000 : i32
        %mul3A_220 = arith.muli %add3A_218, %mul3A_219 : i32
        %add3A_221 = vector.broadcast %mul3A_220 : i32 to vector<16xi32>
        %add3A_222 = arith.addi %get3A_108, %add3A_221 : vector<16xi32>
        %gather3A_223 = tpu.vector_load_idx %arg7[%add3A_222] : memref<64000xf32, #tpu.memory_space<vmem>>[vector<16xi32>], vector<16xf32>,
        %mul3A_224 = arith.mulf %get3A_209, %gather3A_223 : vector<16xf32>
        %mul3A_225 = arith.mulf %mul3A_224, %get3A_216 : vector<16xf32>
        %add3A_226 = arith.addf %scan3A_129, %mul3A_225 : vector<16xf32>
        %add3A_227 = arith.constant 4 : i32
        %add3A_228 = arith.addi %mul3A_131, %add3A_227 : i32
        %mul3A_229 = arith.constant 16 : i32
        %mul3A_230 = arith.muli %scan3A_102, %mul3A_229 : i32
        %get3A_231 = arith.index_cast %add3A_228 : i32 to index
        %get3A_232 = arith.index_cast %mul3A_230 : i32 to index
        %get3A_233 = tpu.vector_load %arg11[%get3A_231, %get3A_232] {strides = array<i32>} : memref<64x128xf32, #tpu.memory_space<vmem>>, vector<16xf32>,
        %add3A_234 = arith.constant 4 : i32
        %add3A_235 = arith.addi %mul3A_131, %add3A_234 : i32
        %mul3A_236 = arith.constant 16 : i32
        %mul3A_237 = arith.muli %scan3A_102, %mul3A_236 : i32
        %get3A_238 = arith.index_cast %add3A_235 : i32 to index
        %get3A_239 = arith.index_cast %mul3A_237 : i32 to index
        %get3A_240 = tpu.vector_load %arg12[%get3A_238, %get3A_239] {strides = array<i32>} : memref<64x128xf32, #tpu.memory_space<vmem>>, vector<16xf32>,
        %add3A_241 = arith.constant 4 : i32
        %add3A_242 = arith.addi %mul3A_131, %add3A_241 : i32
        %mul3A_243 = arith.constant 1000 : i32
        %mul3A_244 = arith.muli %add3A_242, %mul3A_243 : i32
        %add3A_245 = vector.broadcast %mul3A_244 : i32 to vector<16xi32>
        %add3A_246 = arith.addi %get3A_108, %add3A_245 : vector<16xi32>
        %gather3A_247 = tpu.vector_load_idx %arg7[%add3A_246] : memref<64000xf32, #tpu.memory_space<vmem>>[vector<16xi32>], vector<16xf32>,
        %mul3A_248 = arith.mulf %get3A_233, %gather3A_247 : vector<16xf32>
        %mul3A_249 = arith.mulf %mul3A_248, %get3A_240 : vector<16xf32>
        %add3A_250 = arith.addf %add3A_154, %mul3A_249 : vector<16xf32>
        %add3A_251 = arith.constant 5 : i32
        %add3A_252 = arith.addi %mul3A_131, %add3A_251 : i32
        %mul3A_253 = arith.constant 16 : i32
        %mul3A_254 = arith.muli %scan3A_102, %mul3A_253 : i32
        %get3A_255 = arith.index_cast %add3A_252 : i32 to index
        %get3A_256 = arith.index_cast %mul3A_254 : i32 to index
        %get3A_257 = tpu.vector_load %arg11[%get3A_255, %get3A_256] {strides = array<i32>} : memref<64x128xf32, #tpu.memory_space<vmem>>, vector<16xf32>,
        %add3A_258 = arith.constant 5 : i32
        %add3A_259 = arith.addi %mul3A_131, %add3A_258 : i32
        %mul3A_260 = arith.constant 16 : i32
        %mul3A_261 = arith.muli %scan3A_102, %mul3A_260 : i32
        %get3A_262 = arith.index_cast %add3A_259 : i32 to index
        %get3A_263 = arith.index_cast %mul3A_261 : i32 to index
        %get3A_264 = tpu.vector_load %arg12[%get3A_262, %get3A_263] {strides = array<i32>} : memref<64x128xf32, #tpu.memory_space<vmem>>, vector<16xf32>,
        %add3A_265 = arith.constant 5 : i32
        %add3A_266 = arith.addi %mul3A_131, %add3A_265 : i32
        %mul3A_267 = arith.constant 1000 : i32
        %mul3A_268 = arith.muli %add3A_266, %mul3A_267 : i32
        %add3A_269 = vector.broadcast %mul3A_268 : i32 to vector<16xi32>
        %add3A_270 = arith.addi %get3A_108, %add3A_269 : vector<16xi32>
        %gather3A_271 = tpu.vector_load_idx %arg7[%add3A_270] : memref<64000xf32, #tpu.memory_space<vmem>>[vector<16xi32>], vector<16xf32>,
        %mul3A_272 = arith.mulf %get3A_257, %gather3A_271 : vector<16xf32>
        %mul3A_273 = arith.mulf %mul3A_272, %get3A_264 : vector<16xf32>
        %add3A_274 = arith.addf %add3A_178, %mul3A_273 : vector<16xf32>
        %add3A_275 = arith.constant 6 : i32
        %add3A_276 = arith.addi %mul3A_131, %add3A_275 : i32
        %mul3A_277 = arith.constant 16 : i32
        %mul3A_278 = arith.muli %scan3A_102, %mul3A_277 : i32
        %get3A_279 = arith.index_cast %add3A_276 : i32 to index
        %get3A_280 = arith.index_cast %mul3A_278 : i32 to index
        %get3A_281 = tpu.vector_load %arg11[%get3A_279, %get3A_280] {strides = array<i32>} : memref<64x128xf32, #tpu.memory_space<vmem>>, vector<16xf32>,
        %add3A_282 = arith.constant 6 : i32
        %add3A_283 = arith.addi %mul3A_131, %add3A_282 : i32
        %mul3A_284 = arith.constant 16 : i32
        %mul3A_285 = arith.muli %scan3A_102, %mul3A_284 : i32
        %get3A_286 = arith.index_cast %add3A_283 : i32 to index
        %get3A_287 = arith.index_cast %mul3A_285 : i32 to index
        %get3A_288 = tpu.vector_load %arg12[%get3A_286, %get3A_287] {strides = array<i32>} : memref<64x128xf32, #tpu.memory_space<vmem>>, vector<16xf32>,
        %add3A_289 = arith.constant 6 : i32
        %add3A_290 = arith.addi %mul3A_131, %add3A_289 : i32
        %mul3A_291 = arith.constant 1000 : i32
        %mul3A_292 = arith.muli %add3A_290, %mul3A_291 : i32
        %add3A_293 = vector.broadcast %mul3A_292 : i32 to vector<16xi32>
        %add3A_294 = arith.addi %get3A_108, %add3A_293 : vector<16xi32>
        %gather3A_295 = tpu.vector_load_idx %arg7[%add3A_294] : memref<64000xf32, #tpu.memory_space<vmem>>[vector<16xi32>], vector<16xf32>,
        %mul3A_296 = arith.mulf %get3A_281, %gather3A_295 : vector<16xf32>
        %mul3A_297 = arith.mulf %mul3A_296, %get3A_288 : vector<16xf32>
        %add3A_298 = arith.addf %add3A_202, %mul3A_297 : vector<16xf32>
        %add3A_299 = arith.constant 7 : i32
        %add3A_300 = arith.addi %mul3A_131, %add3A_299 : i32
        %mul3A_301 = arith.constant 16 : i32
        %mul3A_302 = arith.muli %scan3A_102, %mul3A_301 : i32
        %get3A_303 = arith.index_cast %add3A_300 : i32 to index
        %get3A_304 = arith.index_cast %mul3A_302 : i32 to index
        %get3A_305 = tpu.vector_load %arg11[%get3A_303, %get3A_304] {strides = array<i32>} : memref<64x128xf32, #tpu.memory_space<vmem>>, vector<16xf32>,
        %add3A_306 = arith.constant 7 : i32
        %add3A_307 = arith.addi %mul3A_131, %add3A_306 : i32
        %mul3A_308 = arith.constant 16 : i32
        %mul3A_309 = arith.muli %scan3A_102, %mul3A_308 : i32
        %get3A_310 = arith.index_cast %add3A_307 : i32 to index
        %get3A_311 = arith.index_cast %mul3A_309 : i32 to index
        %get3A_312 = tpu.vector_load %arg12[%get3A_310, %get3A_311] {strides = array<i32>} : memref<64x128xf32, #tpu.memory_space<vmem>>, vector<16xf32>,
        %add3A_313 = arith.constant 7 : i32
        %add3A_314 = arith.addi %mul3A_131, %add3A_313 : i32
        %mul3A_315 = arith.constant 1000 : i32
        %mul3A_316 = arith.muli %add3A_314, %mul3A_315 : i32
        %add3A_317 = vector.broadcast %mul3A_316 : i32 to vector<16xi32>
        %add3A_318 = arith.addi %get3A_108, %add3A_317 : vector<16xi32>
        %gather3A_319 = tpu.vector_load_idx %arg7[%add3A_318] : memref<64000xf32, #tpu.memory_space<vmem>>[vector<16xi32>], vector<16xf32>,
        %mul3A_320 = arith.mulf %get3A_305, %gather3A_319 : vector<16xf32>
        %mul3A_321 = arith.mulf %mul3A_320, %get3A_312 : vector<16xf32>
        %add3A_322 = arith.addf %add3A_226, %mul3A_321 : vector<16xf32>
        scf.yield %add3A_250, %add3A_274, %add3A_298, %add3A_322 : vector<16xf32>, vector<16xf32>, vector<16xf32>, vector<16xf32>
      }
      %scan3A_115 = arith.constant 8 : i32
      %add3A_116 = arith.addf %scan3A_114#0, %scan3A_114#1 : vector<16xf32>
      %add3A_117 = arith.addf %scan3A_114#2, %scan3A_114#3 : vector<16xf32>
      %add3A_118 = arith.addf %add3A_116, %add3A_117 : vector<16xf32>
      %mul3A_119 = arith.constant 16 : i32
      %mul3A_120 = arith.muli %scan3A_102, %mul3A_119 : i32
      %add3A_121 = arith.constant 128 : i32
      %add3A_122 = arith.addi %add3A_121, %mul3A_120 : i32
      %swap3A = arith.index_cast %add3A_122 : i32 to index
      %swap3A_123 = tpu.vector_load %arg13[%swap3A] {strides = array<i32>} : memref<512xf32, #tpu.memory_space<vmem>>, vector<16xf32>,
      tpu.vector_store %arg13[%swap3A], %add3A_118 {strides = array<i32>} : memref<512xf32, #tpu.memory_space<vmem>>, vector<16xf32>,
      %scan3A_124 = arith.constant 0 : i32
      scf.yield %scan3A_124 : i32
    }
    %scan3A_61 = arith.constant 8 : i32
    %add3A_62 = arith.constant 384 : i32
    %add3A_63 = arith.addi %mul3A_2, %add3A_62 : i32
    %dma_start3A_64 = arith.constant 0 : i32
    %dma_start3A_65 = tpu.memref_slice %arg2[%dma_start3A_64, %add3A_63] : memref<64x16384xf32, #tpu.memory_space<hbm>> -> memref<64x128xf32, #tpu.memory_space<hbm>>
    %dma_start3A_66 = arith.constant 0 : i32
    %dma_start3A_67 = tpu.memref_slice %arg2[%dma_start3A_66, %add3A_63] : memref<64x16384xf32, #tpu.memory_space<hbm>> -> memref<64x128xf32, #tpu.memory_space<hbm>>
    tpu.enqueue_dma source(%dma_start3A_67 : memref<64x128xf32, #tpu.memory_space<hbm>>) target(%arg11 : memref<64x128xf32, #tpu.memory_space<vmem>>) target_semaphore(%arg16 : memref<!tpu.dma_semaphore, #tpu.memory_space<semaphore_mem>>)
    %dma_start3A_68 = arith.constant 0 : i32
    %dma_start3A_69 = tpu.memref_slice %arg3[%dma_start3A_68, %add3A_63] : memref<64x16384xf32, #tpu.memory_space<hbm>> -> memref<64x128xf32, #tpu.memory_space<hbm>>
    %dma_start3A_70 = arith.constant 0 : i32
    %dma_start3A_71 = tpu.memref_slice %arg3[%dma_start3A_70, %add3A_63] : memref<64x16384xf32, #tpu.memory_space<hbm>> -> memref<64x128xf32, #tpu.memory_space<hbm>>
    tpu.enqueue_dma source(%dma_start3A_71 : memref<64x128xf32, #tpu.memory_space<hbm>>) target(%arg12 : memref<64x128xf32, #tpu.memory_space<vmem>>) target_semaphore(%arg16 : memref<!tpu.dma_semaphore, #tpu.memory_space<semaphore_mem>>)
    %dma_wait3A_72 = arith.constant 0 : i32
    %dma_wait3A_73 = tpu.memref_slice %arg2[%dma_wait3A_72, %add3A_38] : memref<64x16384xf32, #tpu.memory_space<hbm>> -> memref<64x128xf32, #tpu.memory_space<hbm>>
    %dma_wait3A_74 = arith.constant 0 : i32
    %dma_wait3A_75 = tpu.memref_slice %arg2[%dma_wait3A_74, %add3A_38] : memref<64x16384xf32, #tpu.memory_space<hbm>> -> memref<64x128xf32, #tpu.memory_space<hbm>>
    tpu.wait_dma2 semaphore(%arg15 : memref<!tpu.dma_semaphore, #tpu.memory_space<semaphore_mem>>) src(%dma_wait3A_75 : memref<64x128xf32, #tpu.memory_space<hbm>>) dst(%arg9 : memref<64x128xf32, #tpu.memory_space<vmem>>)
    %dma_wait3A_76 = arith.constant 0 : i32
    %dma_wait3A_77 = tpu.memref_slice %arg3[%dma_wait3A_76, %add3A_38] : memref<64x16384xf32, #tpu.memory_space<hbm>> -> memref<64x128xf32, #tpu.memory_space<hbm>>
    %dma_wait3A_78 = arith.constant 0 : i32
    %dma_wait3A_79 = tpu.memref_slice %arg3[%dma_wait3A_78, %add3A_38] : memref<64x16384xf32, #tpu.memory_space<hbm>> -> memref<64x128xf32, #tpu.memory_space<hbm>>
    tpu.wait_dma2 semaphore(%arg15 : memref<!tpu.dma_semaphore, #tpu.memory_space<semaphore_mem>>) src(%dma_wait3A_79 : memref<64x128xf32, #tpu.memory_space<hbm>>) dst(%arg10 : memref<64x128xf32, #tpu.memory_space<vmem>>)
    %scan3A_80 = arith.constant 0 : i32
    %scan3A_81 = arith.constant 0 : i32
    %scan3A_82 = arith.constant 8 : i32
    %scan3A_83 = arith.addi %scan3A_81, %scan3A_82 : i32
    %scan3A_84 = arith.constant 1 : i32
    %scan3A_85 = scf.for %scan3A_102 = %scan3A_81 to %scan3A_83 step %scan3A_84 iter_args(%scan3A_103 = %scan3A_80) -> (i32)  : i32 {
      %mul3A_104 = arith.constant 16 : i32
      %mul3A_105 = arith.muli %scan3A_102, %mul3A_104 : i32
      %add3A_106 = arith.constant 256 : i32
      %add3A_107 = arith.addi %add3A_106, %mul3A_105 : i32
      %get3A = arith.index_cast %add3A_107 : i32 to index
      %get3A_108 = tpu.vector_load %arg8[%get3A] {strides = array<i32>} : memref<512xi32, #tpu.memory_space<vmem>>, vector<16xi32>,
      %broadcast_in_dim3A = arith.constant 0.000000e+00 : f32
      %broadcast_in_dim3A_109 = vector.broadcast %broadcast_in_dim3A : f32 to vector<16xf32>
      %scan3A_110 = arith.constant 0 : i32
      %scan3A_111 = arith.constant 8 : i32
      %scan3A_112 = arith.addi %scan3A_110, %scan3A_111 : i32
      %scan3A_113 = arith.constant 1 : i32
      %scan3A_114:4 = scf.for %scan3A_125 = %scan3A_110 to %scan3A_112 step %scan3A_113 iter_args(%scan3A_126 = %broadcast_in_dim3A_109, %scan3A_127 = %broadcast_in_dim3A_109, %scan3A_128 = %broadcast_in_dim3A_109, %scan3A_129 = %broadcast_in_dim3A_109) -> (vector<16xf32>, vector<16xf32>, vector<16xf32>, vector<16xf32>)  : i32 {
        %mul3A_130 = arith.constant 8 : i32
        %mul3A_131 = arith.muli %scan3A_125, %mul3A_130 : i32
        %add3A_132 = arith.constant 0 : i32
        %add3A_133 = arith.addi %mul3A_131, %add3A_132 : i32
        %mul3A_134 = arith.constant 16 : i32
        %mul3A_135 = arith.muli %scan3A_102, %mul3A_134 : i32
        %get3A_136 = arith.index_cast %add3A_133 : i32 to index
        %get3A_137 = arith.index_cast %mul3A_135 : i32 to index
        %get3A_138 = tpu.vector_load %arg9[%get3A_136, %get3A_137] {strides = array<i32>} : memref<64x128xf32, #tpu.memory_space<vmem>>, vector<16xf32>,
        %add3A_139 = arith.constant 0 : i32
        %add3A_140 = arith.addi %mul3A_131, %add3A_139 : i32
        %mul3A_141 = arith.constant 16 : i32
        %mul3A_142 = arith.muli %scan3A_102, %mul3A_141 : i32
        %get3A_143 = arith.index_cast %add3A_140 : i32 to index
        %get3A_144 = arith.index_cast %mul3A_142 : i32 to index
        %get3A_145 = tpu.vector_load %arg10[%get3A_143, %get3A_144] {strides = array<i32>} : memref<64x128xf32, #tpu.memory_space<vmem>>, vector<16xf32>,
        %add3A_146 = arith.constant 0 : i32
        %add3A_147 = arith.addi %mul3A_131, %add3A_146 : i32
        %mul3A_148 = arith.constant 1000 : i32
        %mul3A_149 = arith.muli %add3A_147, %mul3A_148 : i32
        %add3A_150 = vector.broadcast %mul3A_149 : i32 to vector<16xi32>
        %add3A_151 = arith.addi %get3A_108, %add3A_150 : vector<16xi32>
        %gather3A = tpu.vector_load_idx %arg7[%add3A_151] : memref<64000xf32, #tpu.memory_space<vmem>>[vector<16xi32>], vector<16xf32>,
        %mul3A_152 = arith.mulf %get3A_138, %gather3A : vector<16xf32>
        %mul3A_153 = arith.mulf %mul3A_152, %get3A_145 : vector<16xf32>
        %add3A_154 = arith.addf %scan3A_126, %mul3A_153 : vector<16xf32>
        %add3A_155 = arith.constant 1 : i32
        %add3A_156 = arith.addi %mul3A_131, %add3A_155 : i32
        %mul3A_157 = arith.constant 16 : i32
        %mul3A_158 = arith.muli %scan3A_102, %mul3A_157 : i32
        %get3A_159 = arith.index_cast %add3A_156 : i32 to index
        %get3A_160 = arith.index_cast %mul3A_158 : i32 to index
        %get3A_161 = tpu.vector_load %arg9[%get3A_159, %get3A_160] {strides = array<i32>} : memref<64x128xf32, #tpu.memory_space<vmem>>, vector<16xf32>,
        %add3A_162 = arith.constant 1 : i32
        %add3A_163 = arith.addi %mul3A_131, %add3A_162 : i32
        %mul3A_164 = arith.constant 16 : i32
        %mul3A_165 = arith.muli %scan3A_102, %mul3A_164 : i32
        %get3A_166 = arith.index_cast %add3A_163 : i32 to index
        %get3A_167 = arith.index_cast %mul3A_165 : i32 to index
        %get3A_168 = tpu.vector_load %arg10[%get3A_166, %get3A_167] {strides = array<i32>} : memref<64x128xf32, #tpu.memory_space<vmem>>, vector<16xf32>,
        %add3A_169 = arith.constant 1 : i32
        %add3A_170 = arith.addi %mul3A_131, %add3A_169 : i32
        %mul3A_171 = arith.constant 1000 : i32
        %mul3A_172 = arith.muli %add3A_170, %mul3A_171 : i32
        %add3A_173 = vector.broadcast %mul3A_172 : i32 to vector<16xi32>
        %add3A_174 = arith.addi %get3A_108, %add3A_173 : vector<16xi32>
        %gather3A_175 = tpu.vector_load_idx %arg7[%add3A_174] : memref<64000xf32, #tpu.memory_space<vmem>>[vector<16xi32>], vector<16xf32>,
        %mul3A_176 = arith.mulf %get3A_161, %gather3A_175 : vector<16xf32>
        %mul3A_177 = arith.mulf %mul3A_176, %get3A_168 : vector<16xf32>
        %add3A_178 = arith.addf %scan3A_127, %mul3A_177 : vector<16xf32>
        %add3A_179 = arith.constant 2 : i32
        %add3A_180 = arith.addi %mul3A_131, %add3A_179 : i32
        %mul3A_181 = arith.constant 16 : i32
        %mul3A_182 = arith.muli %scan3A_102, %mul3A_181 : i32
        %get3A_183 = arith.index_cast %add3A_180 : i32 to index
        %get3A_184 = arith.index_cast %mul3A_182 : i32 to index
        %get3A_185 = tpu.vector_load %arg9[%get3A_183, %get3A_184] {strides = array<i32>} : memref<64x128xf32, #tpu.memory_space<vmem>>, vector<16xf32>,
        %add3A_186 = arith.constant 2 : i32
        %add3A_187 = arith.addi %mul3A_131, %add3A_186 : i32
        %mul3A_188 = arith.constant 16 : i32
        %mul3A_189 = arith.muli %scan3A_102, %mul3A_188 : i32
        %get3A_190 = arith.index_cast %add3A_187 : i32 to index
        %get3A_191 = arith.index_cast %mul3A_189 : i32 to index
        %get3A_192 = tpu.vector_load %arg10[%get3A_190, %get3A_191] {strides = array<i32>} : memref<64x128xf32, #tpu.memory_space<vmem>>, vector<16xf32>,
        %add3A_193 = arith.constant 2 : i32
        %add3A_194 = arith.addi %mul3A_131, %add3A_193 : i32
        %mul3A_195 = arith.constant 1000 : i32
        %mul3A_196 = arith.muli %add3A_194, %mul3A_195 : i32
        %add3A_197 = vector.broadcast %mul3A_196 : i32 to vector<16xi32>
        %add3A_198 = arith.addi %get3A_108, %add3A_197 : vector<16xi32>
        %gather3A_199 = tpu.vector_load_idx %arg7[%add3A_198] : memref<64000xf32, #tpu.memory_space<vmem>>[vector<16xi32>], vector<16xf32>,
        %mul3A_200 = arith.mulf %get3A_185, %gather3A_199 : vector<16xf32>
        %mul3A_201 = arith.mulf %mul3A_200, %get3A_192 : vector<16xf32>
        %add3A_202 = arith.addf %scan3A_128, %mul3A_201 : vector<16xf32>
        %add3A_203 = arith.constant 3 : i32
        %add3A_204 = arith.addi %mul3A_131, %add3A_203 : i32
        %mul3A_205 = arith.constant 16 : i32
        %mul3A_206 = arith.muli %scan3A_102, %mul3A_205 : i32
        %get3A_207 = arith.index_cast %add3A_204 : i32 to index
        %get3A_208 = arith.index_cast %mul3A_206 : i32 to index
        %get3A_209 = tpu.vector_load %arg9[%get3A_207, %get3A_208] {strides = array<i32>} : memref<64x128xf32, #tpu.memory_space<vmem>>, vector<16xf32>,
        %add3A_210 = arith.constant 3 : i32
        %add3A_211 = arith.addi %mul3A_131, %add3A_210 : i32
        %mul3A_212 = arith.constant 16 : i32
        %mul3A_213 = arith.muli %scan3A_102, %mul3A_212 : i32
        %get3A_214 = arith.index_cast %add3A_211 : i32 to index
        %get3A_215 = arith.index_cast %mul3A_213 : i32 to index
        %get3A_216 = tpu.vector_load %arg10[%get3A_214, %get3A_215] {strides = array<i32>} : memref<64x128xf32, #tpu.memory_space<vmem>>, vector<16xf32>,
        %add3A_217 = arith.constant 3 : i32
        %add3A_218 = arith.addi %mul3A_131, %add3A_217 : i32
        %mul3A_219 = arith.constant 1000 : i32
        %mul3A_220 = arith.muli %add3A_218, %mul3A_219 : i32
        %add3A_221 = vector.broadcast %mul3A_220 : i32 to vector<16xi32>
        %add3A_222 = arith.addi %get3A_108, %add3A_221 : vector<16xi32>
        %gather3A_223 = tpu.vector_load_idx %arg7[%add3A_222] : memref<64000xf32, #tpu.memory_space<vmem>>[vector<16xi32>], vector<16xf32>,
        %mul3A_224 = arith.mulf %get3A_209, %gather3A_223 : vector<16xf32>
        %mul3A_225 = arith.mulf %mul3A_224, %get3A_216 : vector<16xf32>
        %add3A_226 = arith.addf %scan3A_129, %mul3A_225 : vector<16xf32>
        %add3A_227 = arith.constant 4 : i32
        %add3A_228 = arith.addi %mul3A_131, %add3A_227 : i32
        %mul3A_229 = arith.constant 16 : i32
        %mul3A_230 = arith.muli %scan3A_102, %mul3A_229 : i32
        %get3A_231 = arith.index_cast %add3A_228 : i32 to index
        %get3A_232 = arith.index_cast %mul3A_230 : i32 to index
        %get3A_233 = tpu.vector_load %arg9[%get3A_231, %get3A_232] {strides = array<i32>} : memref<64x128xf32, #tpu.memory_space<vmem>>, vector<16xf32>,
        %add3A_234 = arith.constant 4 : i32
        %add3A_235 = arith.addi %mul3A_131, %add3A_234 : i32
        %mul3A_236 = arith.constant 16 : i32
        %mul3A_237 = arith.muli %scan3A_102, %mul3A_236 : i32
        %get3A_238 = arith.index_cast %add3A_235 : i32 to index
        %get3A_239 = arith.index_cast %mul3A_237 : i32 to index
        %get3A_240 = tpu.vector_load %arg10[%get3A_238, %get3A_239] {strides = array<i32>} : memref<64x128xf32, #tpu.memory_space<vmem>>, vector<16xf32>,
        %add3A_241 = arith.constant 4 : i32
        %add3A_242 = arith.addi %mul3A_131, %add3A_241 : i32
        %mul3A_243 = arith.constant 1000 : i32
        %mul3A_244 = arith.muli %add3A_242, %mul3A_243 : i32
        %add3A_245 = vector.broadcast %mul3A_244 : i32 to vector<16xi32>
        %add3A_246 = arith.addi %get3A_108, %add3A_245 : vector<16xi32>
        %gather3A_247 = tpu.vector_load_idx %arg7[%add3A_246] : memref<64000xf32, #tpu.memory_space<vmem>>[vector<16xi32>], vector<16xf32>,
        %mul3A_248 = arith.mulf %get3A_233, %gather3A_247 : vector<16xf32>
        %mul3A_249 = arith.mulf %mul3A_248, %get3A_240 : vector<16xf32>
        %add3A_250 = arith.addf %add3A_154, %mul3A_249 : vector<16xf32>
        %add3A_251 = arith.constant 5 : i32
        %add3A_252 = arith.addi %mul3A_131, %add3A_251 : i32
        %mul3A_253 = arith.constant 16 : i32
        %mul3A_254 = arith.muli %scan3A_102, %mul3A_253 : i32
        %get3A_255 = arith.index_cast %add3A_252 : i32 to index
        %get3A_256 = arith.index_cast %mul3A_254 : i32 to index
        %get3A_257 = tpu.vector_load %arg9[%get3A_255, %get3A_256] {strides = array<i32>} : memref<64x128xf32, #tpu.memory_space<vmem>>, vector<16xf32>,
        %add3A_258 = arith.constant 5 : i32
        %add3A_259 = arith.addi %mul3A_131, %add3A_258 : i32
        %mul3A_260 = arith.constant 16 : i32
        %mul3A_261 = arith.muli %scan3A_102, %mul3A_260 : i32
        %get3A_262 = arith.index_cast %add3A_259 : i32 to index
        %get3A_263 = arith.index_cast %mul3A_261 : i32 to index
        %get3A_264 = tpu.vector_load %arg10[%get3A_262, %get3A_263] {strides = array<i32>} : memref<64x128xf32, #tpu.memory_space<vmem>>, vector<16xf32>,
        %add3A_265 = arith.constant 5 : i32
        %add3A_266 = arith.addi %mul3A_131, %add3A_265 : i32
        %mul3A_267 = arith.constant 1000 : i32
        %mul3A_268 = arith.muli %add3A_266, %mul3A_267 : i32
        %add3A_269 = vector.broadcast %mul3A_268 : i32 to vector<16xi32>
        %add3A_270 = arith.addi %get3A_108, %add3A_269 : vector<16xi32>
        %gather3A_271 = tpu.vector_load_idx %arg7[%add3A_270] : memref<64000xf32, #tpu.memory_space<vmem>>[vector<16xi32>], vector<16xf32>,
        %mul3A_272 = arith.mulf %get3A_257, %gather3A_271 : vector<16xf32>
        %mul3A_273 = arith.mulf %mul3A_272, %get3A_264 : vector<16xf32>
        %add3A_274 = arith.addf %add3A_178, %mul3A_273 : vector<16xf32>
        %add3A_275 = arith.constant 6 : i32
        %add3A_276 = arith.addi %mul3A_131, %add3A_275 : i32
        %mul3A_277 = arith.constant 16 : i32
        %mul3A_278 = arith.muli %scan3A_102, %mul3A_277 : i32
        %get3A_279 = arith.index_cast %add3A_276 : i32 to index
        %get3A_280 = arith.index_cast %mul3A_278 : i32 to index
        %get3A_281 = tpu.vector_load %arg9[%get3A_279, %get3A_280] {strides = array<i32>} : memref<64x128xf32, #tpu.memory_space<vmem>>, vector<16xf32>,
        %add3A_282 = arith.constant 6 : i32
        %add3A_283 = arith.addi %mul3A_131, %add3A_282 : i32
        %mul3A_284 = arith.constant 16 : i32
        %mul3A_285 = arith.muli %scan3A_102, %mul3A_284 : i32
        %get3A_286 = arith.index_cast %add3A_283 : i32 to index
        %get3A_287 = arith.index_cast %mul3A_285 : i32 to index
        %get3A_288 = tpu.vector_load %arg10[%get3A_286, %get3A_287] {strides = array<i32>} : memref<64x128xf32, #tpu.memory_space<vmem>>, vector<16xf32>,
        %add3A_289 = arith.constant 6 : i32
        %add3A_290 = arith.addi %mul3A_131, %add3A_289 : i32
        %mul3A_291 = arith.constant 1000 : i32
        %mul3A_292 = arith.muli %add3A_290, %mul3A_291 : i32
        %add3A_293 = vector.broadcast %mul3A_292 : i32 to vector<16xi32>
        %add3A_294 = arith.addi %get3A_108, %add3A_293 : vector<16xi32>
        %gather3A_295 = tpu.vector_load_idx %arg7[%add3A_294] : memref<64000xf32, #tpu.memory_space<vmem>>[vector<16xi32>], vector<16xf32>,
        %mul3A_296 = arith.mulf %get3A_281, %gather3A_295 : vector<16xf32>
        %mul3A_297 = arith.mulf %mul3A_296, %get3A_288 : vector<16xf32>
        %add3A_298 = arith.addf %add3A_202, %mul3A_297 : vector<16xf32>
        %add3A_299 = arith.constant 7 : i32
        %add3A_300 = arith.addi %mul3A_131, %add3A_299 : i32
        %mul3A_301 = arith.constant 16 : i32
        %mul3A_302 = arith.muli %scan3A_102, %mul3A_301 : i32
        %get3A_303 = arith.index_cast %add3A_300 : i32 to index
        %get3A_304 = arith.index_cast %mul3A_302 : i32 to index
        %get3A_305 = tpu.vector_load %arg9[%get3A_303, %get3A_304] {strides = array<i32>} : memref<64x128xf32, #tpu.memory_space<vmem>>, vector<16xf32>,
        %add3A_306 = arith.constant 7 : i32
        %add3A_307 = arith.addi %mul3A_131, %add3A_306 : i32
        %mul3A_308 = arith.constant 16 : i32
        %mul3A_309 = arith.muli %scan3A_102, %mul3A_308 : i32
        %get3A_310 = arith.index_cast %add3A_307 : i32 to index
        %get3A_311 = arith.index_cast %mul3A_309 : i32 to index
        %get3A_312 = tpu.vector_load %arg10[%get3A_310, %get3A_311] {strides = array<i32>} : memref<64x128xf32, #tpu.memory_space<vmem>>, vector<16xf32>,
        %add3A_313 = arith.constant 7 : i32
        %add3A_314 = arith.addi %mul3A_131, %add3A_313 : i32
        %mul3A_315 = arith.constant 1000 : i32
        %mul3A_316 = arith.muli %add3A_314, %mul3A_315 : i32
        %add3A_317 = vector.broadcast %mul3A_316 : i32 to vector<16xi32>
        %add3A_318 = arith.addi %get3A_108, %add3A_317 : vector<16xi32>
        %gather3A_319 = tpu.vector_load_idx %arg7[%add3A_318] : memref<64000xf32, #tpu.memory_space<vmem>>[vector<16xi32>], vector<16xf32>,
        %mul3A_320 = arith.mulf %get3A_305, %gather3A_319 : vector<16xf32>
        %mul3A_321 = arith.mulf %mul3A_320, %get3A_312 : vector<16xf32>
        %add3A_322 = arith.addf %add3A_226, %mul3A_321 : vector<16xf32>
        scf.yield %add3A_250, %add3A_274, %add3A_298, %add3A_322 : vector<16xf32>, vector<16xf32>, vector<16xf32>, vector<16xf32>
      }
      %scan3A_115 = arith.constant 8 : i32
      %add3A_116 = arith.addf %scan3A_114#0, %scan3A_114#1 : vector<16xf32>
      %add3A_117 = arith.addf %scan3A_114#2, %scan3A_114#3 : vector<16xf32>
      %add3A_118 = arith.addf %add3A_116, %add3A_117 : vector<16xf32>
      %mul3A_119 = arith.constant 16 : i32
      %mul3A_120 = arith.muli %scan3A_102, %mul3A_119 : i32
      %add3A_121 = arith.constant 256 : i32
      %add3A_122 = arith.addi %add3A_121, %mul3A_120 : i32
      %swap3A = arith.index_cast %add3A_122 : i32 to index
      %swap3A_123 = tpu.vector_load %arg13[%swap3A] {strides = array<i32>} : memref<512xf32, #tpu.memory_space<vmem>>, vector<16xf32>,
      tpu.vector_store %arg13[%swap3A], %add3A_118 {strides = array<i32>} : memref<512xf32, #tpu.memory_space<vmem>>, vector<16xf32>,
      %scan3A_124 = arith.constant 0 : i32
      scf.yield %scan3A_124 : i32
    }
    %scan3A_86 = arith.constant 8 : i32
    %dma_wait3A_87 = arith.constant 0 : i32
    %dma_wait3A_88 = tpu.memref_slice %arg2[%dma_wait3A_87, %add3A_63] : memref<64x16384xf32, #tpu.memory_space<hbm>> -> memref<64x128xf32, #tpu.memory_space<hbm>>
    %dma_wait3A_89 = arith.constant 0 : i32
    %dma_wait3A_90 = tpu.memref_slice %arg2[%dma_wait3A_89, %add3A_63] : memref<64x16384xf32, #tpu.memory_space<hbm>> -> memref<64x128xf32, #tpu.memory_space<hbm>>
    tpu.wait_dma2 semaphore(%arg16 : memref<!tpu.dma_semaphore, #tpu.memory_space<semaphore_mem>>) src(%dma_wait3A_90 : memref<64x128xf32, #tpu.memory_space<hbm>>) dst(%arg11 : memref<64x128xf32, #tpu.memory_space<vmem>>)
    %dma_wait3A_91 = arith.constant 0 : i32
    %dma_wait3A_92 = tpu.memref_slice %arg3[%dma_wait3A_91, %add3A_63] : memref<64x16384xf32, #tpu.memory_space<hbm>> -> memref<64x128xf32, #tpu.memory_space<hbm>>
    %dma_wait3A_93 = arith.constant 0 : i32
    %dma_wait3A_94 = tpu.memref_slice %arg3[%dma_wait3A_93, %add3A_63] : memref<64x16384xf32, #tpu.memory_space<hbm>> -> memref<64x128xf32, #tpu.memory_space<hbm>>
    tpu.wait_dma2 semaphore(%arg16 : memref<!tpu.dma_semaphore, #tpu.memory_space<semaphore_mem>>) src(%dma_wait3A_94 : memref<64x128xf32, #tpu.memory_space<hbm>>) dst(%arg12 : memref<64x128xf32, #tpu.memory_space<vmem>>)
    %scan3A_95 = arith.constant 0 : i32
    %scan3A_96 = arith.constant 0 : i32
    %scan3A_97 = arith.constant 8 : i32
    %scan3A_98 = arith.addi %scan3A_96, %scan3A_97 : i32
    %scan3A_99 = arith.constant 1 : i32
    %scan3A_100 = scf.for %scan3A_102 = %scan3A_96 to %scan3A_98 step %scan3A_99 iter_args(%scan3A_103 = %scan3A_95) -> (i32)  : i32 {
      %mul3A_104 = arith.constant 16 : i32
      %mul3A_105 = arith.muli %scan3A_102, %mul3A_104 : i32
      %add3A_106 = arith.constant 384 : i32
      %add3A_107 = arith.addi %add3A_106, %mul3A_105 : i32
      %get3A = arith.index_cast %add3A_107 : i32 to index
      %get3A_108 = tpu.vector_load %arg8[%get3A] {strides = array<i32>} : memref<512xi32, #tpu.memory_space<vmem>>, vector<16xi32>,
      %broadcast_in_dim3A = arith.constant 0.000000e+00 : f32
      %broadcast_in_dim3A_109 = vector.broadcast %broadcast_in_dim3A : f32 to vector<16xf32>
      %scan3A_110 = arith.constant 0 : i32
      %scan3A_111 = arith.constant 8 : i32
      %scan3A_112 = arith.addi %scan3A_110, %scan3A_111 : i32
      %scan3A_113 = arith.constant 1 : i32
      %scan3A_114:4 = scf.for %scan3A_125 = %scan3A_110 to %scan3A_112 step %scan3A_113 iter_args(%scan3A_126 = %broadcast_in_dim3A_109, %scan3A_127 = %broadcast_in_dim3A_109, %scan3A_128 = %broadcast_in_dim3A_109, %scan3A_129 = %broadcast_in_dim3A_109) -> (vector<16xf32>, vector<16xf32>, vector<16xf32>, vector<16xf32>)  : i32 {
        %mul3A_130 = arith.constant 8 : i32
        %mul3A_131 = arith.muli %scan3A_125, %mul3A_130 : i32
        %add3A_132 = arith.constant 0 : i32
        %add3A_133 = arith.addi %mul3A_131, %add3A_132 : i32
        %mul3A_134 = arith.constant 16 : i32
        %mul3A_135 = arith.muli %scan3A_102, %mul3A_134 : i32
        %get3A_136 = arith.index_cast %add3A_133 : i32 to index
        %get3A_137 = arith.index_cast %mul3A_135 : i32 to index
        %get3A_138 = tpu.vector_load %arg11[%get3A_136, %get3A_137] {strides = array<i32>} : memref<64x128xf32, #tpu.memory_space<vmem>>, vector<16xf32>,
        %add3A_139 = arith.constant 0 : i32
        %add3A_140 = arith.addi %mul3A_131, %add3A_139 : i32
        %mul3A_141 = arith.constant 16 : i32
        %mul3A_142 = arith.muli %scan3A_102, %mul3A_141 : i32
        %get3A_143 = arith.index_cast %add3A_140 : i32 to index
        %get3A_144 = arith.index_cast %mul3A_142 : i32 to index
        %get3A_145 = tpu.vector_load %arg12[%get3A_143, %get3A_144] {strides = array<i32>} : memref<64x128xf32, #tpu.memory_space<vmem>>, vector<16xf32>,
        %add3A_146 = arith.constant 0 : i32
        %add3A_147 = arith.addi %mul3A_131, %add3A_146 : i32
        %mul3A_148 = arith.constant 1000 : i32
        %mul3A_149 = arith.muli %add3A_147, %mul3A_148 : i32
        %add3A_150 = vector.broadcast %mul3A_149 : i32 to vector<16xi32>
        %add3A_151 = arith.addi %get3A_108, %add3A_150 : vector<16xi32>
        %gather3A = tpu.vector_load_idx %arg7[%add3A_151] : memref<64000xf32, #tpu.memory_space<vmem>>[vector<16xi32>], vector<16xf32>,
        %mul3A_152 = arith.mulf %get3A_138, %gather3A : vector<16xf32>
        %mul3A_153 = arith.mulf %mul3A_152, %get3A_145 : vector<16xf32>
        %add3A_154 = arith.addf %scan3A_126, %mul3A_153 : vector<16xf32>
        %add3A_155 = arith.constant 1 : i32
        %add3A_156 = arith.addi %mul3A_131, %add3A_155 : i32
        %mul3A_157 = arith.constant 16 : i32
        %mul3A_158 = arith.muli %scan3A_102, %mul3A_157 : i32
        %get3A_159 = arith.index_cast %add3A_156 : i32 to index
        %get3A_160 = arith.index_cast %mul3A_158 : i32 to index
        %get3A_161 = tpu.vector_load %arg11[%get3A_159, %get3A_160] {strides = array<i32>} : memref<64x128xf32, #tpu.memory_space<vmem>>, vector<16xf32>,
        %add3A_162 = arith.constant 1 : i32
        %add3A_163 = arith.addi %mul3A_131, %add3A_162 : i32
        %mul3A_164 = arith.constant 16 : i32
        %mul3A_165 = arith.muli %scan3A_102, %mul3A_164 : i32
        %get3A_166 = arith.index_cast %add3A_163 : i32 to index
        %get3A_167 = arith.index_cast %mul3A_165 : i32 to index
        %get3A_168 = tpu.vector_load %arg12[%get3A_166, %get3A_167] {strides = array<i32>} : memref<64x128xf32, #tpu.memory_space<vmem>>, vector<16xf32>,
        %add3A_169 = arith.constant 1 : i32
        %add3A_170 = arith.addi %mul3A_131, %add3A_169 : i32
        %mul3A_171 = arith.constant 1000 : i32
        %mul3A_172 = arith.muli %add3A_170, %mul3A_171 : i32
        %add3A_173 = vector.broadcast %mul3A_172 : i32 to vector<16xi32>
        %add3A_174 = arith.addi %get3A_108, %add3A_173 : vector<16xi32>
        %gather3A_175 = tpu.vector_load_idx %arg7[%add3A_174] : memref<64000xf32, #tpu.memory_space<vmem>>[vector<16xi32>], vector<16xf32>,
        %mul3A_176 = arith.mulf %get3A_161, %gather3A_175 : vector<16xf32>
        %mul3A_177 = arith.mulf %mul3A_176, %get3A_168 : vector<16xf32>
        %add3A_178 = arith.addf %scan3A_127, %mul3A_177 : vector<16xf32>
        %add3A_179 = arith.constant 2 : i32
        %add3A_180 = arith.addi %mul3A_131, %add3A_179 : i32
        %mul3A_181 = arith.constant 16 : i32
        %mul3A_182 = arith.muli %scan3A_102, %mul3A_181 : i32
        %get3A_183 = arith.index_cast %add3A_180 : i32 to index
        %get3A_184 = arith.index_cast %mul3A_182 : i32 to index
        %get3A_185 = tpu.vector_load %arg11[%get3A_183, %get3A_184] {strides = array<i32>} : memref<64x128xf32, #tpu.memory_space<vmem>>, vector<16xf32>,
        %add3A_186 = arith.constant 2 : i32
        %add3A_187 = arith.addi %mul3A_131, %add3A_186 : i32
        %mul3A_188 = arith.constant 16 : i32
        %mul3A_189 = arith.muli %scan3A_102, %mul3A_188 : i32
        %get3A_190 = arith.index_cast %add3A_187 : i32 to index
        %get3A_191 = arith.index_cast %mul3A_189 : i32 to index
        %get3A_192 = tpu.vector_load %arg12[%get3A_190, %get3A_191] {strides = array<i32>} : memref<64x128xf32, #tpu.memory_space<vmem>>, vector<16xf32>,
        %add3A_193 = arith.constant 2 : i32
        %add3A_194 = arith.addi %mul3A_131, %add3A_193 : i32
        %mul3A_195 = arith.constant 1000 : i32
        %mul3A_196 = arith.muli %add3A_194, %mul3A_195 : i32
        %add3A_197 = vector.broadcast %mul3A_196 : i32 to vector<16xi32>
        %add3A_198 = arith.addi %get3A_108, %add3A_197 : vector<16xi32>
        %gather3A_199 = tpu.vector_load_idx %arg7[%add3A_198] : memref<64000xf32, #tpu.memory_space<vmem>>[vector<16xi32>], vector<16xf32>,
        %mul3A_200 = arith.mulf %get3A_185, %gather3A_199 : vector<16xf32>
        %mul3A_201 = arith.mulf %mul3A_200, %get3A_192 : vector<16xf32>
        %add3A_202 = arith.addf %scan3A_128, %mul3A_201 : vector<16xf32>
        %add3A_203 = arith.constant 3 : i32
        %add3A_204 = arith.addi %mul3A_131, %add3A_203 : i32
        %mul3A_205 = arith.constant 16 : i32
        %mul3A_206 = arith.muli %scan3A_102, %mul3A_205 : i32
        %get3A_207 = arith.index_cast %add3A_204 : i32 to index
        %get3A_208 = arith.index_cast %mul3A_206 : i32 to index
        %get3A_209 = tpu.vector_load %arg11[%get3A_207, %get3A_208] {strides = array<i32>} : memref<64x128xf32, #tpu.memory_space<vmem>>, vector<16xf32>,
        %add3A_210 = arith.constant 3 : i32
        %add3A_211 = arith.addi %mul3A_131, %add3A_210 : i32
        %mul3A_212 = arith.constant 16 : i32
        %mul3A_213 = arith.muli %scan3A_102, %mul3A_212 : i32
        %get3A_214 = arith.index_cast %add3A_211 : i32 to index
        %get3A_215 = arith.index_cast %mul3A_213 : i32 to index
        %get3A_216 = tpu.vector_load %arg12[%get3A_214, %get3A_215] {strides = array<i32>} : memref<64x128xf32, #tpu.memory_space<vmem>>, vector<16xf32>,
        %add3A_217 = arith.constant 3 : i32
        %add3A_218 = arith.addi %mul3A_131, %add3A_217 : i32
        %mul3A_219 = arith.constant 1000 : i32
        %mul3A_220 = arith.muli %add3A_218, %mul3A_219 : i32
        %add3A_221 = vector.broadcast %mul3A_220 : i32 to vector<16xi32>
        %add3A_222 = arith.addi %get3A_108, %add3A_221 : vector<16xi32>
        %gather3A_223 = tpu.vector_load_idx %arg7[%add3A_222] : memref<64000xf32, #tpu.memory_space<vmem>>[vector<16xi32>], vector<16xf32>,
        %mul3A_224 = arith.mulf %get3A_209, %gather3A_223 : vector<16xf32>
        %mul3A_225 = arith.mulf %mul3A_224, %get3A_216 : vector<16xf32>
        %add3A_226 = arith.addf %scan3A_129, %mul3A_225 : vector<16xf32>
        %add3A_227 = arith.constant 4 : i32
        %add3A_228 = arith.addi %mul3A_131, %add3A_227 : i32
        %mul3A_229 = arith.constant 16 : i32
        %mul3A_230 = arith.muli %scan3A_102, %mul3A_229 : i32
        %get3A_231 = arith.index_cast %add3A_228 : i32 to index
        %get3A_232 = arith.index_cast %mul3A_230 : i32 to index
        %get3A_233 = tpu.vector_load %arg11[%get3A_231, %get3A_232] {strides = array<i32>} : memref<64x128xf32, #tpu.memory_space<vmem>>, vector<16xf32>,
        %add3A_234 = arith.constant 4 : i32
        %add3A_235 = arith.addi %mul3A_131, %add3A_234 : i32
        %mul3A_236 = arith.constant 16 : i32
        %mul3A_237 = arith.muli %scan3A_102, %mul3A_236 : i32
        %get3A_238 = arith.index_cast %add3A_235 : i32 to index
        %get3A_239 = arith.index_cast %mul3A_237 : i32 to index
        %get3A_240 = tpu.vector_load %arg12[%get3A_238, %get3A_239] {strides = array<i32>} : memref<64x128xf32, #tpu.memory_space<vmem>>, vector<16xf32>,
        %add3A_241 = arith.constant 4 : i32
        %add3A_242 = arith.addi %mul3A_131, %add3A_241 : i32
        %mul3A_243 = arith.constant 1000 : i32
        %mul3A_244 = arith.muli %add3A_242, %mul3A_243 : i32
        %add3A_245 = vector.broadcast %mul3A_244 : i32 to vector<16xi32>
        %add3A_246 = arith.addi %get3A_108, %add3A_245 : vector<16xi32>
        %gather3A_247 = tpu.vector_load_idx %arg7[%add3A_246] : memref<64000xf32, #tpu.memory_space<vmem>>[vector<16xi32>], vector<16xf32>,
        %mul3A_248 = arith.mulf %get3A_233, %gather3A_247 : vector<16xf32>
        %mul3A_249 = arith.mulf %mul3A_248, %get3A_240 : vector<16xf32>
        %add3A_250 = arith.addf %add3A_154, %mul3A_249 : vector<16xf32>
        %add3A_251 = arith.constant 5 : i32
        %add3A_252 = arith.addi %mul3A_131, %add3A_251 : i32
        %mul3A_253 = arith.constant 16 : i32
        %mul3A_254 = arith.muli %scan3A_102, %mul3A_253 : i32
        %get3A_255 = arith.index_cast %add3A_252 : i32 to index
        %get3A_256 = arith.index_cast %mul3A_254 : i32 to index
        %get3A_257 = tpu.vector_load %arg11[%get3A_255, %get3A_256] {strides = array<i32>} : memref<64x128xf32, #tpu.memory_space<vmem>>, vector<16xf32>,
        %add3A_258 = arith.constant 5 : i32
        %add3A_259 = arith.addi %mul3A_131, %add3A_258 : i32
        %mul3A_260 = arith.constant 16 : i32
        %mul3A_261 = arith.muli %scan3A_102, %mul3A_260 : i32
        %get3A_262 = arith.index_cast %add3A_259 : i32 to index
        %get3A_263 = arith.index_cast %mul3A_261 : i32 to index
        %get3A_264 = tpu.vector_load %arg12[%get3A_262, %get3A_263] {strides = array<i32>} : memref<64x128xf32, #tpu.memory_space<vmem>>, vector<16xf32>,
        %add3A_265 = arith.constant 5 : i32
        %add3A_266 = arith.addi %mul3A_131, %add3A_265 : i32
        %mul3A_267 = arith.constant 1000 : i32
        %mul3A_268 = arith.muli %add3A_266, %mul3A_267 : i32
        %add3A_269 = vector.broadcast %mul3A_268 : i32 to vector<16xi32>
        %add3A_270 = arith.addi %get3A_108, %add3A_269 : vector<16xi32>
        %gather3A_271 = tpu.vector_load_idx %arg7[%add3A_270] : memref<64000xf32, #tpu.memory_space<vmem>>[vector<16xi32>], vector<16xf32>,
        %mul3A_272 = arith.mulf %get3A_257, %gather3A_271 : vector<16xf32>
        %mul3A_273 = arith.mulf %mul3A_272, %get3A_264 : vector<16xf32>
        %add3A_274 = arith.addf %add3A_178, %mul3A_273 : vector<16xf32>
        %add3A_275 = arith.constant 6 : i32
        %add3A_276 = arith.addi %mul3A_131, %add3A_275 : i32
        %mul3A_277 = arith.constant 16 : i32
        %mul3A_278 = arith.muli %scan3A_102, %mul3A_277 : i32
        %get3A_279 = arith.index_cast %add3A_276 : i32 to index
        %get3A_280 = arith.index_cast %mul3A_278 : i32 to index
        %get3A_281 = tpu.vector_load %arg11[%get3A_279, %get3A_280] {strides = array<i32>} : memref<64x128xf32, #tpu.memory_space<vmem>>, vector<16xf32>,
        %add3A_282 = arith.constant 6 : i32
        %add3A_283 = arith.addi %mul3A_131, %add3A_282 : i32
        %mul3A_284 = arith.constant 16 : i32
        %mul3A_285 = arith.muli %scan3A_102, %mul3A_284 : i32
        %get3A_286 = arith.index_cast %add3A_283 : i32 to index
        %get3A_287 = arith.index_cast %mul3A_285 : i32 to index
        %get3A_288 = tpu.vector_load %arg12[%get3A_286, %get3A_287] {strides = array<i32>} : memref<64x128xf32, #tpu.memory_space<vmem>>, vector<16xf32>,
        %add3A_289 = arith.constant 6 : i32
        %add3A_290 = arith.addi %mul3A_131, %add3A_289 : i32
        %mul3A_291 = arith.constant 1000 : i32
        %mul3A_292 = arith.muli %add3A_290, %mul3A_291 : i32
        %add3A_293 = vector.broadcast %mul3A_292 : i32 to vector<16xi32>
        %add3A_294 = arith.addi %get3A_108, %add3A_293 : vector<16xi32>
        %gather3A_295 = tpu.vector_load_idx %arg7[%add3A_294] : memref<64000xf32, #tpu.memory_space<vmem>>[vector<16xi32>], vector<16xf32>,
        %mul3A_296 = arith.mulf %get3A_281, %gather3A_295 : vector<16xf32>
        %mul3A_297 = arith.mulf %mul3A_296, %get3A_288 : vector<16xf32>
        %add3A_298 = arith.addf %add3A_202, %mul3A_297 : vector<16xf32>
        %add3A_299 = arith.constant 7 : i32
        %add3A_300 = arith.addi %mul3A_131, %add3A_299 : i32
        %mul3A_301 = arith.constant 16 : i32
        %mul3A_302 = arith.muli %scan3A_102, %mul3A_301 : i32
        %get3A_303 = arith.index_cast %add3A_300 : i32 to index
        %get3A_304 = arith.index_cast %mul3A_302 : i32 to index
        %get3A_305 = tpu.vector_load %arg11[%get3A_303, %get3A_304] {strides = array<i32>} : memref<64x128xf32, #tpu.memory_space<vmem>>, vector<16xf32>,
        %add3A_306 = arith.constant 7 : i32
        %add3A_307 = arith.addi %mul3A_131, %add3A_306 : i32
        %mul3A_308 = arith.constant 16 : i32
        %mul3A_309 = arith.muli %scan3A_102, %mul3A_308 : i32
        %get3A_310 = arith.index_cast %add3A_307 : i32 to index
        %get3A_311 = arith.index_cast %mul3A_309 : i32 to index
        %get3A_312 = tpu.vector_load %arg12[%get3A_310, %get3A_311] {strides = array<i32>} : memref<64x128xf32, #tpu.memory_space<vmem>>, vector<16xf32>,
        %add3A_313 = arith.constant 7 : i32
        %add3A_314 = arith.addi %mul3A_131, %add3A_313 : i32
        %mul3A_315 = arith.constant 1000 : i32
        %mul3A_316 = arith.muli %add3A_314, %mul3A_315 : i32
        %add3A_317 = vector.broadcast %mul3A_316 : i32 to vector<16xi32>
        %add3A_318 = arith.addi %get3A_108, %add3A_317 : vector<16xi32>
        %gather3A_319 = tpu.vector_load_idx %arg7[%add3A_318] : memref<64000xf32, #tpu.memory_space<vmem>>[vector<16xi32>], vector<16xf32>,
        %mul3A_320 = arith.mulf %get3A_305, %gather3A_319 : vector<16xf32>
        %mul3A_321 = arith.mulf %mul3A_320, %get3A_312 : vector<16xf32>
        %add3A_322 = arith.addf %add3A_226, %mul3A_321 : vector<16xf32>
        scf.yield %add3A_250, %add3A_274, %add3A_298, %add3A_322 : vector<16xf32>, vector<16xf32>, vector<16xf32>, vector<16xf32>
      }
      %scan3A_115 = arith.constant 8 : i32
      %add3A_116 = arith.addf %scan3A_114#0, %scan3A_114#1 : vector<16xf32>
      %add3A_117 = arith.addf %scan3A_114#2, %scan3A_114#3 : vector<16xf32>
      %add3A_118 = arith.addf %add3A_116, %add3A_117 : vector<16xf32>
      %mul3A_119 = arith.constant 16 : i32
      %mul3A_120 = arith.muli %scan3A_102, %mul3A_119 : i32
      %add3A_121 = arith.constant 384 : i32
      %add3A_122 = arith.addi %add3A_121, %mul3A_120 : i32
      %swap3A = arith.index_cast %add3A_122 : i32 to index
      %swap3A_123 = tpu.vector_load %arg13[%swap3A] {strides = array<i32>} : memref<512xf32, #tpu.memory_space<vmem>>, vector<16xf32>,
      tpu.vector_store %arg13[%swap3A], %add3A_118 {strides = array<i32>} : memref<512xf32, #tpu.memory_space<vmem>>, vector<16xf32>,
      %scan3A_124 = arith.constant 0 : i32
      scf.yield %scan3A_124 : i32
    }
    %scan3A_101 = arith.constant 8 : i32
    "tpu.region"() ({
      %run_scoped3A = tpu.sem_alloc : memref<!tpu.dma_semaphore, #tpu.memory_space<semaphore_mem>>
      %dma_start3A_102 = tpu.memref_slice %arg6[%mul3A_2] : memref<16384xf32, #tpu.memory_space<hbm>> -> memref<512xf32, #tpu.memory_space<hbm>>
      %dma_start3A_103 = tpu.memref_slice %arg6[%mul3A_2] : memref<16384xf32, #tpu.memory_space<hbm>> -> memref<512xf32, #tpu.memory_space<hbm>>
      tpu.enqueue_dma source(%arg13 : memref<512xf32, #tpu.memory_space<vmem>>) target(%dma_start3A_103 : memref<512xf32, #tpu.memory_space<hbm>>) target_semaphore(%run_scoped3A : memref<!tpu.dma_semaphore, #tpu.memory_space<semaphore_mem>>)
      %dma_wait3A_104 = tpu.memref_slice %arg6[%mul3A_2] : memref<16384xf32, #tpu.memory_space<hbm>> -> memref<512xf32, #tpu.memory_space<hbm>>
      %dma_wait3A_105 = tpu.memref_slice %arg6[%mul3A_2] : memref<16384xf32, #tpu.memory_space<hbm>> -> memref<512xf32, #tpu.memory_space<hbm>>
      tpu.wait_dma2 semaphore(%run_scoped3A : memref<!tpu.dma_semaphore, #tpu.memory_space<semaphore_mem>>) src(%arg13 : memref<512xf32, #tpu.memory_space<vmem>>) dst(%dma_wait3A_105 : memref<512xf32, #tpu.memory_space<hbm>>)
      tpu.yield
    }) : () -> ()
    return
  }
}

</mosaic_0001>

<sc_bundles>
// kernel: kernel.3.cloned.1.call-start
scs
__scs_entry_jumppad:
0x0: {  	(pc) =	sbr.rel $0x88, $3  }
0x1: {  	(tag) =	ssettag $0x0;
	lr =	simm.s32 $0x1  }
0x2: {  	[smem:$0x3F9D] =	sst lr;
	_ =	strace $0xD0000000  }
0x3: {  	_ = 	snop  }
0x4: {  	_ = 	snop  }
0x5: {  	_ = 	snop  }
0x6: {  	_ = 	snop  }
0x7: {  	_ = 	snop  }
__scs_overlays_trampoline_lowered:
0x8: {  	[smem:$0x3FAC] =	sst s0  }
0x9: {  	[smem:$0x3FAD] =	sst s1  }
0xa: {  	[smem:$0x3FAE] =	sst s2  }
0xb: {  	[smem:$0x3FAF] =	sst s3  }
0xc: {  	[smem:$0x3FB0] =	sst s4  }
0xd: {  	[smem:$0x3FB1] =	sst s5  }
0xe: {  	[smem:$0x3FB2] =	sst s6  }
0xf: {  	[smem:$0x3FB3] =	sst s7  }
0x10: {  	[smem:$0x3FB4] =	sst s8  }
0x11: {  	[smem:$0x3FB5] =	sst s9;
	s0 =	simm.s32 @!p0 $0x0  }
0x12: {  	s1 =	sld [smem:$0x3F9B];
	s0 =	simm.s32 @p0 $0x1  }
0x13: {  	[smem:$0x3FB6] =	sst s0;
	s0 =	simm.s32 @!p1 $0x0  }
0x14: {  	s2 =	sld [smem:$0x3F9A];
	s0 =	simm.s32 @p1 $0x1  }
0x15: {  	[smem:$0x3FB7] =	sst s0;
	s0 =	simm.s32 @!p2 $0x0  }
0x16: {  	s3 =	sld [smem:$0x3FDB];
	s0 =	simm.s32 @p2 $0x1  }
0x17: {  	s4 =	simm.s32 $0x1BF5;
	[smem:$0x3FB9] =	sst s0  }
0x18: {  	s0 =	sld [smem:$0x3F9C];
	_ =	swait.ge [sflag:s4], $0x0  }
0x19: {  	s7 =	sld [smem:$0x3F9D]  }
0x1a: {  	s8 =	sadd.s32 $0xFFFFE003, lr  }
0x1b: {  	s9 =	sadd.s32 $0xFFFFFEF7, lr;
	s5 =	simm.s32 $0xFFFFFFFF;
	p2 =	slt.u32 s8, $0xFFFFF086  }
0x1c: {  	p1 =	slt.u32 s9, $0xF7A;
	s5 =	simm.s32 @!p2 $0x0  }
0x1d: {  	s5 =	simm.s32 @p1 $0x1;
	p0 =	seq.s32 s7, s2  }
0x1e: {  	s7 =	smul.u32 @!p0 $0xF7A, s2;
	p2 =	seq.s32 @!p0 s5, $0x0  }
0x1f: {  	s9 =	smul.u32 $0xF7A, s1;
	s8 =	simm.s32 @!p0 $0x1BF5;
	p2 =	por !p2, p0  }
0x20: {  	[sflag:s8] =	ssyncset.s32 @!p0 $0xFFFFF086;
	s6 =	sadd.s32 @!p0 s3, s7;
	s7 =	simm.s32 @!p0 $0x108  }
0x21: {  	s3 =	sadd.s32 s3, s9;
	s6 =	sadd.s32 @!p0 $0x88, s6;
	s7 =	simm.s32 @p2 $0x1082  }
0x22: {  	[simem:s7], [sflag:s8] =	dma.local @!p0 [hbm:s6], $0xF7A  }
0x23: {  	s9 =	sor.u32 $0xD0000000, s2;
	s6 =	simm.s32 $0x108;
	_ =	swait.ge @!p0 [sflag:s8], $0x0  }
0x24: {  	s3 =	sadd.s32 $0x88, s3;
	s6 =	simm.s32 @!p1 $0x1082;
	[sflag:s4] =	ssyncset.s32 $0xFFFFF086  }
0x25: {  	[simem:s6], [sflag:s4] =	dma.local [hbm:s3], $0xF7A  }
0x26: {  	[smem:$0x3F9D] =	sst s1;
	(tag) =	ssettag s2;
	_ =	strace s9  }
0x27: {  	s1 =	sld [smem:$0x3FAD]  }
0x28: {  	s2 =	sld [smem:$0x3FAE]  }
0x29: {  	s4 =	sld [smem:$0x3FB0]  }
0x2a: {  	p0 =	seq.s32 s5, $0x0;
	s5 =	sld [smem:$0x3FB1]  }
0x2b: {  	s6 =	sld [smem:$0x3FB2]  }
0x2c: {  	s7 =	sld [smem:$0x3FB3]  }
0x2d: {  	s3 =	simm.s32 $0x108;
	s8 =	sld [smem:$0x3FB4]  }
0x2e: {  	s3 =	simm.s32 @!p0 $0x1082;
	s9 =	sld [smem:$0x3FB5]  }
0x2f: {  	lr =	sadd.s32 s0, s3;
	s0 =	sld [smem:$0x3FAC]  }
0x30: {  	s3 =	sld [smem:$0x3FAF]  }
0x31: {  	[smem:$0x3FB8] =	sst s10  }
0x32: {  	s10 =	sld [smem:$0x3FB6];
	_ =	sdelay $0x3  }
0x33: {  	p0 =	seq.s32 s10, $0x1;
	s10 =	sld [smem:$0x3FB8];
	_ =	sdelay $0x3  }
0x34: {  	[smem:$0x3FB8] =	sst s10  }
0x35: {  	s10 =	sld [smem:$0x3FB7];
	_ =	sdelay $0x3  }
0x36: {  	p1 =	seq.s32 s10, $0x1;
	s10 =	sld [smem:$0x3FB8];
	_ =	sdelay $0x3  }
0x37: {  	[smem:$0x3FB8] =	sst s10  }
0x38: {  	s10 =	sld [smem:$0x3FB9]  }
0x39: {  	_ = 	snop;
	(pc) =	sbr.ind lr, $3  }
0x3a: {  	_ = 	snop  }
0x3b: {  	_ = 	snop  }
0x3c: {  	p2 =	seq.s32 s10, $0x1;
	s10 =	sld [smem:$0x3FB8]  }
0x3d: {  	_ =	shalt  }
0x3e: {  	_ =	shalt  }
0x3f: {  	_ =	shalt  }
0x40: {  	_ =	shalt  }
0x41: {  	_ =	shalt  }
0x42: {  	_ =	shalt  }
0x43: {  	_ =	shalt  }
0x44: {  	_ =	shalt  }
0x45: {  	_ =	shalt  }
0x46: {  	_ =	shalt  }
0x47: {  	_ =	shalt  }
0x48: {  	_ =	shalt  }
0x49: {  	_ =	shalt  }
0x4a: {  	_ =	shalt  }
0x4b: {  	_ =	shalt  }
0x4c: {  	_ =	shalt  }
0x4d: {  	_ =	shalt  }
0x4e: {  	_ =	shalt  }
0x4f: {  	_ =	shalt  }
0x50: {  	_ =	shalt  }
0x51: {  	_ =	shalt  }
0x52: {  	_ =	shalt  }
0x53: {  	_ =	shalt  }
0x54: {  	_ =	shalt  }
0x55: {  	_ =	shalt  }
0x56: {  	_ =	shalt  }
0x57: {  	_ =	shalt  }
0x58: {  	_ =	shalt  }
0x59: {  	_ =	shalt  }
0x5a: {  	_ =	shalt  }
0x5b: {  	_ =	shalt  }
0x5c: {  	_ =	shalt  }
0x5d: {  	_ =	shalt  }
0x5e: {  	_ =	shalt  }
0x5f: {  	_ =	shalt  }
0x60: {  	_ =	shalt  }
0x61: {  	_ =	shalt  }
0x62: {  	_ =	shalt  }
0x63: {  	_ =	shalt  }
0x64: {  	_ =	shalt  }
0x65: {  	_ =	shalt  }
0x66: {  	_ =	shalt  }
0x67: {  	_ =	shalt  }
0x68: {  	_ =	shalt  }
0x69: {  	_ =	shalt  }
0x6a: {  	_ =	shalt  }
0x6b: {  	_ =	shalt  }
0x6c: {  	_ =	shalt  }
0x6d: {  	_ =	shalt  }
0x6e: {  	_ =	shalt  }
0x6f: {  	_ =	shalt  }
0x70: {  	_ =	shalt  }
0x71: {  	_ =	shalt  }
0x72: {  	_ =	shalt  }
0x73: {  	_ =	shalt  }
0x74: {  	_ =	shalt  }
0x75: {  	_ =	shalt  }
0x76: {  	_ =	shalt  }
0x77: {  	_ =	shalt  }
0x78: {  	_ =	shalt  }
0x79: {  	_ =	shalt  }
0x7a: {  	_ =	shalt  }
0x7b: {  	_ =	shalt  }
0x7c: {  	_ =	shalt  }
0x7d: {  	_ =	shalt  }
0x7e: {  	_ =	shalt  }
0x7f: {  	_ =	shalt  }
0x80: {  	_ =	shalt  }
0x81: {  	_ =	shalt  }
0x82: {  	_ =	shalt  }
0x83: {  	_ =	shalt  }
0x84: {  	_ =	shalt  }
0x85: {  	_ =	shalt  }
0x86: {  	_ =	shalt  }
0x87: {  	_ =	shalt  }
.Lfunc_end0:
.L_simem_size_0:
called_computation_lowered:
.L_overlay_start_0:
0x88: {  	s2 =	sld [smem:$0x3FD9]  }
0x89: {  	s3 =	sld [smem:$0x3FFE];
	_ =	sdelay $0x1  }
0x8a: {  	s1 =	srdreg.scid  }
0x8b: {  	s0 =	sand.u32 $0x1, s1  }
0x8c: {  	s17 =	sshll.u32 s0, $0xA;
	s2 =	sadd.s32 s3, s2  }
0x8d: {  	s2 =	sadd.s32 s2, s17  }
0x8e: {  	[smem:$0x3FC4] =	sst s2  }
0x8f: {  	_ = 	snop  }
0x90: {  	s2 =	sld [smem:$0x3FC9]  }
0x91: {  	s18 =	sld [smem:$0x3FC8]  }
0x92: {  	s4 =	sld [smem:$0x3FC7]  }
0x93: {  	s5 =	sld [smem:$0x3FD0];
	(tm) =	ssettm $0x1  }
0x94: {  	s6 =	sld [smem:$0x3FFB];
	_ =	sdelay $0x3  }
0x95: {  	_ =	strace s6  }
0x96: {  	s6 =	sld [smem:$0x3FFC];
	_ =	sdelay $0x3  }
0x97: {  	_ =	strace s6  }
0x98: {  	s6 =	sld [smem:$0x3FFD];
	_ =	sdelay $0x3  }
0x99: {  	_ =	strace s6  }
0x9a: {  	_ =	strace $0x8FFFFFFF  }
0x9b: {  	s19 =	sld [smem:$0x3FDB];
	_ =	sdelay $0x1  }
0x9c: {  	s7 =	simm.s32 $_scs_section_size  }
0x9d: {  	s8 =	simm.s32 $_size__tile_overlayer_lowered;
	s9 =	simm.s32 $_tile_overlayer_lowered  }
0x9e: {  	s22 =	simm.s32 $0x1BFF;
	s21 =	sshll.u32 s9, $0x1;
	s6 =	sadd.s32 s7, s19  }
0x9f: {  	s10 =	simm.s32 $0x0;
	s20 =	sshll.u32 s8, $0x1;
	s8 =	sadd.s32 s21, s6  }
0xa0: {  	[timem:s10], [sflag:s22] =	dma.local [hbm:s8], s20  }
0xa1: {  	_ =	swait.ge [sflag:s22], s20  }
0xa2: {  	s7 =	ssub.s32 $0x0, s20;
	[sflag:s22] =	ssyncset.done $0x0  }
0xa3: {  	[sflag:s22] =	ssyncadd.s32 s7;
	_ =	sdelay $0x1  }
0xa4: {  	s23 =	simm.s32 $0x1B8B  }
0xa5: {  	_ =	swait.ge [sflag:s23], $0x1  }
0xa6: {  	[sflag:s23] =	ssyncset.done $0x0  }
0xa7: {  	s25 =	simm.s32 $0x1B8E;
	s24 =	sld [smem:$0x3FFE];
	[sflag:s23] =	ssyncadd.s32 $0xFFFFFFFF  }
0xa8: {  	s26 =	simm.s32 $execute0_lowered;
	[smem:$0x3FD2] =	sst s25  }
0xa9: {  	s8 =	sshll.u32 s26, $0x1;
	_ =	strace $0x80000046;
	[dreg:$0x1] =	wrdreg $0xFFFFFFFF  }
0xaa: {  	s28 =	simm.s32 $_size_execute0_lowered;
	s6 =	sadd.s32 s6, s8;
	[dreg:$0x0] =	wrdreg $0x0  }
0xab: {  	s8 =	sshll.u32 s28, $0x1;
	[dreg:$0x2] =	wrdreg s6  }
0xac: {  	[dreg:$0x3] =	wrdreg s8  }
0xad: {  	[dreg:$0x4] =	wrdreg $0xC0  }
0xae: {  	_ =	task [dreg:s10], $0x5FFFF  }
0xaf: {  	[dreg:$0x1] =	wrdreg $0xFFFFFFFF  }
0xb0: {  	[dreg:$0x0] =	wrdreg $0x60  }
0xb1: {  	[dreg:$0x2] =	wrdreg s2  }
0xb2: {  	[dreg:$0x3] =	wrdreg s18  }
0xb3: {  	[dreg:$0x4] =	wrdreg s4  }
0xb4: {  	[dreg:$0x5] =	wrdreg s24  }
0xb5: {  	[dreg:$0x6] =	wrdreg s5  }
0xb6: {  	[dreg:$0x7] =	wrdreg $0x17E000  }
0xb7: {  	[dreg:$0x8] =	wrdreg $0x9  }
0xb8: {  	_ =	task.clear_ibuf [dreg:s10], $0x9FFFF;
	_ =	strace $0x90000046  }
0xb9: {  	s29 =	simm.s32 $0x9;
	_ =	strace $0x80000048  }
0xba: {  	_ =	swait.ge [sflag:s29], $0x1  }
0xbb: {  	[sflag:s29] =	ssyncadd.s32 $0xFFFFFFFF  }
0xbc: {  	_ =	strace $0x90000048  }
0xbd: {  	_ =	sfence  }
0xbe: {  	s30 =	sld [smem:$0x0];
	_ =	sdelay $0x2  }
0xbf: {  	s31 =	sshll.u32 s1, $0xD;
	s1 =	sshrl.u32 s1, $0x2  }
0xc0: {  	s3 =	sand.u32 $0x4000, s31;
	s1 =	sadd.s32 s1, s30  }
0xc1: {  	s0 =	sor.u32 s3, s0;
	s1 =	sshll.u32 s1, $0x11  }
0xc2: {  	s0 =	sor.u32 s1, s0  }
0xc3: {  	s0 =	sadd.s32 $0x8F2B, s0  }
0xc4: {  	[sflag:s0] =	ssyncadd.remote.s32 $0x1  }
0xc5: {  	_ =	sfence.sel $0xFFFF  }
0xc6: {  	[dreg:$0x0] =	wrdreg $0xFFFFFFFF;
	(pc) =	sbr.abs _section_cstart, $3  }
0xc7: {  	[dreg:$0x1] =	wrdreg $0xFFFFFFFF  }
0xc8: {  	_ =	task.clear_ibuf [dreg:s10], $0x2FFFF;
	_ =	strace $0x9FFFFFFF  }
0xc9: {  	(tm) =	ssettm $0x7FFFFFFF  }
tec
execute0_lowered:
.L_overlay_start_1:
0x0: {  	(tag) =	ssettag $0x1  }
0x1: {  	s0 =	rddreg [dreg:$0x0]  }
0x2: {  	s1 =	rddreg [dreg:$0x1]  }
0x3: {  	s6 =	rddreg [dreg:$0x2]  }
0x4: {  	s3 =	rddreg [dreg:$0x3]  }
0x5: {  	s13 =	rddreg [dreg:$0x4];
	s2 =	simm.s32 $0x0;
	s4 =	srdreg.scid  }
0x6: {  	s15 =	stileid.u32;
	s17 =	simm.s32 $0xFC00;
	s18 =	simm.s32 $0x11C00  }
0x7: {  	s20 =	simm.s32 $0x3;
	s21 =	simm.s32 $0x13C00;
	s22 =	simm.s32 $0x15C00  }
0x8: {  	s23 =	simm.s32 $0x1;
	s24 =	simm.s32 $0x2;
	s26 =	simm.s32 $0x0  }
0x9: {  	[smem:$0x7FF] =	sst s2;
	s4 =	sand.u32 $0x1, s4;
	s7 =	sshll.u32 s15, $0xA  }
0xa: {  	s3 =	sadd.s32 $0x400, s3;
	p0 =	sne.s32 s15, $0x0;
	s15 =	simm.s32 $0x400  }
0xb: {  	s5 =	ssub.s32 $0x2, s4;
	s4 =	sshll.u32 s4, $0x9;
	_ =	strace $0x80000047  }
0xc: {  	[dreg:$0x7] =	wrdreg s3;
	s8 =	sshrl.u32 s5, $0x1;
	s10 =	sor.u32 s4, s7  }
0xd: {  	s14 =	ssub.s32 s5, s8;
	s30 =	sadd.s32 s0, s10;
	s5 =	sadd.s32 s1, s10  }
0xe: {  	s16 =	sshrl.u32 s10, $0x3;
	s31 =	sor.u32 $0x80, s10;
	s11 =	sor.u32 $0x100, s10  }
0xf: {  	s12 =	sor.u32 $0x180, s10;
	[dreg:$0x8] =	wrdreg s30;
	s6 =	sadd.s32 s6, s16  }
0x10: {  	s7 =	sadd.s32 s0, s31;
	s8 =	sadd.s32 s1, s31;
	s9 =	sadd.s32 s0, s11  }
0x11: {  	s10 =	sadd.s32 s1, s11;
	s11 =	sadd.s32 s0, s12;
	s12 =	sadd.s32 s1, s12  }
0x12: {  	s13 =	sadd.s32 s13, s16;
	s14 =	smax.u32 s14, $0x1;
	s16 =	simm.s32 $0x20000  }
.LBB2_1:
0x13: {  	s0 =	rddreg [dreg:$0x8]  }
0x14: {  	[tilespmem:s17], [sflag:$0x1] =	stream.strided.gather [hbm4b:s0+s15], $0x2000, s16, s15, $0x38;
	[tilespmem:$0x18DA0] =	vst v63  }
0x15: {  	_ = 	snop  }
0x16: {  	[tilespmem:s18], [sflag:$0x1] =	stream.strided.gather [hbm4b:s5+s15], $0x2000, s16, s15, $0x38;
	[tilespmem:$0x18DA0] =	vst v63  }
0x17: {  	s31 =	simm.s32 $0xFA00  }
0x18: {  	[tilespmem:s31], [sflag:$0x3] =	stream.linear.gather [hbm4b:s6+s2], $0x200, $0x38;
	[tilespmem:$0x18DA0] =	vst v63  }
0x19: {  	_ =	swait.ge [sflag:s20], $0x200  }
0x1a: {  	[sflag:s20] =	ssyncset.done $0x0  }
0x1b: {  	[sflag:s20] =	ssyncadd.s32 $0xFFFFFE00  }
0x1c: {  	s3 =	rddreg [dreg:$0x5]  }
0x1d: {  	s1 =	simm.s32 @!p0 $0x1C03;
	s4 =	rddreg [dreg:$0x7];
	s0 =	sshrl.u32 @!p0 s3, $0x3  }
0x1e: {  	[spmem:s0], [sflag:s1] =	dma.local @!p0 [hbm:s4], $0x1F40  }
0x1f: {  	s0 =	simm.s32 @!p0 $0x3  }
0x20: {  	_ =	swait.ge @!p0 [sflag:s0], $0x1F40  }
0x21: {  	[sflag:s0] =	ssyncset.done @!p0 $0x0  }
0x22: {  	[sflag:s0] =	ssyncadd.s32 @!p0 $0xFFFFE0C0  }
0x23: {  	[bflag:$0x0] =	sbarrier.arrive $0xFFFF  }
0x24: {  	[tilespmem:s2], [sflag:$0x3] =	stream.linear.gather [spmem:s3], $0xFA00, $0x38;
	[tilespmem:$0x18DA0] =	vst v63  }
0x25: {  	_ =	swait.ge [sflag:s20], $0xFA00  }
0x26: {  	[sflag:s20] =	ssyncset.done $0x0  }
0x27: {  	[sflag:s20] =	ssyncadd.s32 $0xFFFF0600  }
0x28: {  	[tilespmem:s21], [sflag:$0x2] =	stream.strided.gather [hbm4b:s7+s15], $0x2000, s16, s15, $0x38;
	[tilespmem:$0x18DA0] =	vst v63  }
0x29: {  	_ = 	snop  }
0x2a: {  	[tilespmem:s22], [sflag:$0x2] =	stream.strided.gather [hbm4b:s8+s15], $0x2000, s16, s15, $0x38;
	[tilespmem:$0x18DA0] =	vst v63  }
0x2b: {  	_ =	swait.ge [sflag:s23], $0x2000  }
0x2c: {  	[sflag:s23] =	ssyncset.done $0x0  }
0x2d: {  	[sflag:s23] =	ssyncadd.s32 $0xFFFFE000  }
0x2e: {  	_ =	swait.ge [sflag:s23], $0x2000  }
0x2f: {  	s28 =	simm.s32 $0xFE00;
	[sflag:s23] =	ssyncset.done $0x0  }
0x30: {  	s29 =	simm.s32 $0x11E00;
	s30 =	simm.s32 $0x0;
	[sflag:s23] =	ssyncadd.s32 $0xFFFFE000  }
.LBB2_2:
0x31: {  	s31 =	sshll.u32 s30, $0x4;
	v0 =	vld [tilespmem:s29+$0x0]  }
0x32: {  	v3 =	vld [tilespmem:s31+$0xFA00]  }
0x33: {  	v1 =	vld [tilespmem:s29+$0x80]  }
0x34: {  	v2 =	vld [tilespmem:s29+$0xFFFFFE00]  }
0x35: {  	v9 =	vld [tilespmem:s28+$0x0]  }
0x36: {  	s0 =	simm.s32 $0xFA0;
	v10 =	vld [tilespmem:s28+$0x80]  }
0x37: {  	s3 =	simm.s32 $0x1388;
	v11 =	vld [tilespmem:s28+$0x100];
	v6 =	vadd.s32 s0, v3  }
0x38: {  	s4 =	simm.s32 $0x1770;
	v13 =	vld [tilespmem:s28+$0x180];
	v7 =	vadd.s32 s3, v3  }
0x39: {  	v12 =	vld [tilespmem:s28+$0xFFFFFE00];
	s19 =	simm.s32 $0x1B58;
	v8 =	vadd.s32 s4, v3  }
0x3a: {  	v14 =	vld [tilespmem:s28+$0xFFFFFE80];
	s1 =	simm.s32 $0x3E8;
	v19 =	vadd.s32 s19, v3  }
0x3b: {  	v15 =	vld [tilespmem:s28+$0xFFFFFF00];
	s25 =	simm.s32 $0x7D0;
	v20 =	vadd.s32 s1, v3  }
0x3c: {  	s19 =	simm.s32 $0xBB8;
	v21 =	vadd.s32 s25, v3;
	v16 =	vld.idx.msk [tilespmem:v6+s2+$0x0], $0xffff  }
0x3d: {  	v4 =	vimm.f32 $0.0e+00;
	v5 =	vadd.s32 $0x1F40, v3;
	s25 =	simm.s32 $0x0;
	v22 =	vadd.s32 s19, v3;
	v18 =	vld.idx.msk [tilespmem:v7+s2+$0x0], $0xffff  }
0x3e: {  	s1 =	simm.s32 $0x1F40;
	v23 =	vmovc v3;
	s0 =	smov.u32 s29;
	s19 =	smov.u32 s28;
	v17 =	vld.idx.msk [tilespmem:v8+s2+$0x0], $0xffff;
	v8 =	vimm.f32 $0.0e+00;
	v6 =	vimm.f32 $0.0e+00;
	v7 =	vimm.f32 $0.0e+00  }
.LBB2_3:
0x3f: {  	p1 =	sne.s32 s1, $0xDAC0;
	v19 =	vld.idx.msk [tilespmem:v19+s2+$0x0], $0xffff  }
0x40: {  	v20 =	vld.idx.msk [tilespmem:v20+s2+$0x0], $0xffff  }
0x41: {  	v21 =	vld.idx.msk [tilespmem:v21+s2+$0x0], $0xffff  }
0x42: {  	v22 =	vld.idx.msk [tilespmem:v22+s2+$0x0], $0xffff  }
0x43: {  	v23 =	vld.idx.msk [tilespmem:v23+s2+$0x0], $0xffff  }
0x44: {  	v24 =	vld [tilespmem:s19+$0xFFFFFF80]  }
0x45: {  	v25 =	vld [tilespmem:s0+$0xFFFFFE80]  }
0x46: {  	v9 =	vmul.f32 v16, v9;
	v10 =	vmul.f32 v18, v10;
	v26 =	vld [tilespmem:s0+$0xFFFFFF00]  }
0x47: {  	v11 =	vmul.f32 v17, v11;
	v13 =	vmul.f32 v19, v13;
	v16 =	vld [tilespmem:s0+$0xFFFFFF80]  }
0x48: {  	v14 =	vmul.f32 v20, v14;
	v15 =	vmul.f32 v21, v15;
	v17 =	vld [tilespmem:s0+$0x100]  }
0x49: {  	v12 =	vmul.f32 v23, v12;
	v18 =	vmul.f32 v22, v24;
	v19 =	vld [tilespmem:s0+$0x180];
	s0 =	sadd.s32 $0x400, s0  }
0x4a: {  	v20 =	vmul.f32 v9, v0;
	v21 =	vmul.f32 v10, v1;
	v0 =	vld [tilespmem:s0+$0x0]  }
0x4b: {  	v10 =	vmul.f32 v12, v2;
	v12 =	vmul.f32 v14, v25;
	v1 =	vld [tilespmem:s0+$0x80]  }
0x4c: {  	s19 =	sadd.s32 $0x400, s19;
	v14 =	vmul.f32 v15, v26;
	v2 =	vld [tilespmem:s0+$0xFFFFFE00];
	v15 =	vmul.f32 v18, v16  }
0x4d: {  	v4 =	vadd.f32 v10, v4;
	v8 =	vadd.f32 v12, v8;
	v9 =	vld [tilespmem:s19+$0x0];
	v12 =	vmul.f32 v11, v17  }
0x4e: {  	s3 =	sadd.s32 $0xFA0, s1;
	v6 =	vadd.f32 v14, v6;
	v10 =	vld [tilespmem:s19+$0x80];
	v7 =	vadd.f32 v15, v7;
	v14 =	vmul.f32 v13, v19  }
0x4f: {  	v16 =	vadd.s32 s3, v3;
	s3 =	sadd.s32 $0x1388, s1;
	v4 =	vadd.f32 v20, v4;
	v8 =	vadd.f32 v21, v8;
	v11 =	vld [tilespmem:s19+$0x100]  }
0x50: {  	v17 =	vadd.s32 s3, v3;
	s3 =	sadd.s32 $0x1770, s1;
	v6 =	vadd.f32 v12, v6;
	v13 =	vld [tilespmem:s19+$0x180];
	v7 =	vadd.f32 v14, v7  }
0x51: {  	v23 =	vadd.s32 s3, v3;
	s3 =	sadd.s32 $0x1B58, s1;
	v12 =	vld [tilespmem:s19+$0xFFFFFE00]  }
.Ltmp0:
0x52: {  	s4 =	sadd.s32 $0x3E8, s1;
	v19 =	vadd.s32 s3, v3;
	v14 =	vld [tilespmem:s19+$0xFFFFFE80];
	(pc) =	sbr.rel @p1 .LBB2_3-.Ltmp0, $4  }
0x53: {  	v20 =	vadd.s32 s4, v3;
	s3 =	sadd.s32 $0x7D0, s1;
	v15 =	vld [tilespmem:s19+$0xFFFFFF00]  }
0x54: {  	v21 =	vadd.s32 s3, v3;
	s3 =	sadd.s32 $0xBB8, s1;
	v16 =	vld.idx.msk [tilespmem:v16+s2+$0x0], $0xffff  }
0x55: {  	v22 =	vadd.s32 s3, v3;
	v18 =	vld.idx.msk [tilespmem:v17+s2+$0x0], $0xffff  }
0x56: {  	v17 =	vld.idx.msk [tilespmem:v23+s2+$0x0], $0xffff;
	v23 =	vadd.s32 s25, v5;
	s25 =	smov.u32 s1;
	s1 =	sadd.s32 $0x1F40, s1  }
0x57: {  	_ =	sdelay $0x3  }
0x58: {  	v3 =	vld.idx.msk [tilespmem:v19+s2+$0x0], $0xffff  }
0x59: {  	v5 =	vld.idx.msk [tilespmem:v20+s2+$0x0], $0xffff  }
0x5a: {  	v48 =	vld.idx.msk [tilespmem:v21+s2+$0x0], $0xffff  }
0x5b: {  	v49 =	vld.idx.msk [tilespmem:v22+s2+$0x0], $0xffff  }
0x5c: {  	v50 =	vld.idx.msk [tilespmem:v23+s2+$0x0], $0xffff  }
0x5d: {  	v51 =	vld [tilespmem:s19+$0xFFFFFF80]  }
0x5e: {  	v52 =	vld [tilespmem:s0+$0xFFFFFE80];
	v9 =	vmul.f32 v16, v9  }
0x5f: {  	v24 =	vld [tilespmem:s0+$0xFFFFFF00];
	v10 =	vmul.f32 v18, v10  }
0x60: {  	v53 =	vld [tilespmem:s0+$0xFFFFFF80];
	v11 =	vmul.f32 v17, v11;
	v0 =	vmul.f32 v9, v0  }
0x61: {  	v55 =	vld [tilespmem:s0+$0x100];
	v3 =	vmul.f32 v3, v13;
	v5 =	vmul.f32 v5, v14  }
0x62: {  	v57 =	vld [tilespmem:s0+$0x180];
	v54 =	vmul.f32 v48, v15;
	v12 =	vmul.f32 v50, v12  }
0x63: {  	v56 =	vmul.f32 v49, v51;
	v1 =	vmul.f32 v10, v1  }
0x64: {  	v2 =	vmul.f32 v12, v2;
	v5 =	vmul.f32 v5, v52  }
0x65: {  	v58 =	vmul.f32 v54, v24;
	v59 =	vmul.f32 v56, v53  }
0x66: {  	v61 =	vmul.f32 v11, v55;
	v2 =	vadd.f32 v2, v4;
	v60 =	vadd.f32 v5, v8  }
0x67: {  	v3 =	vmul.f32 v3, v57;
	v6 =	vadd.f32 v58, v6;
	v7 =	vadd.f32 v59, v7  }
0x68: {  	v0 =	vadd.f32 v0, v2;
	v1 =	vadd.f32 v1, v60  }
0x69: {  	s30 =	sadd.s32 $0x1, s30;
	v62 =	vadd.f32 v61, v6;
	v3 =	vadd.f32 v3, v7  }
0x6a: {  	p1 =	sne.s32 s30, $0x8  }
.Ltmp1:
0x6b: {  	v0 =	vadd.f32 v1, v0;
	v63 =	vadd.f32 v3, v62;
	(pc) =	sbr.rel @p1 .LBB2_2-.Ltmp1, $3  }
0x6c: {  	_ = 	snop  }
0x6d: {  	v0 =	vadd.f32 v63, v0;
	_ =	sdelay $0x1  }
0x6e: {  	s28 =	sadd.s32 $0x10, s28;
	s29 =	sadd.s32 $0x10, s29;
	[tilespmem:s31+$0x17C00] =	vst v0  }
0x6f: {  	[tilespmem:s17], [sflag:$0x1] =	stream.strided.gather [hbm4b:s9+s15], $0x2000, s16, s15, $0x38;
	[tilespmem:$0x18DA0] =	vst v63  }
0x70: {  	_ = 	snop  }
0x71: {  	[tilespmem:s18], [sflag:$0x1] =	stream.strided.gather [hbm4b:s10+s15], $0x2000, s16, s15, $0x38;
	[tilespmem:$0x18DA0] =	vst v63  }
0x72: {  	_ =	swait.ge [sflag:s24], $0x2000  }
0x73: {  	[sflag:s24] =	ssyncset.done $0x0  }
0x74: {  	[sflag:s24] =	ssyncadd.s32 $0xFFFFE000  }
0x75: {  	_ =	swait.ge [sflag:s24], $0x2000  }
0x76: {  	s28 =	simm.s32 $0x0;
	[sflag:s24] =	ssyncset.done $0x0  }
0x77: {  	s19 =	simm.s32 $0x13E00;
	s0 =	simm.s32 $0x15E00;
	[sflag:s24] =	ssyncadd.s32 $0xFFFFE000  }
.LBB2_6:
0x78: {  	s1 =	sshll.u32 s28, $0x4;
	v0 =	vld [tilespmem:s0+$0x0]  }
0x79: {  	v3 =	vld [tilespmem:s1+$0xFA80]  }
0x7a: {  	v1 =	vld [tilespmem:s0+$0x80]  }
0x7b: {  	v2 =	vld [tilespmem:s0+$0xFFFFFE00]  }
0x7c: {  	v9 =	vld [tilespmem:s19+$0x0]  }
0x7d: {  	s3 =	simm.s32 $0xFA0;
	v10 =	vld [tilespmem:s19+$0x80]  }
0x7e: {  	s25 =	simm.s32 $0x1388;
	v11 =	vld [tilespmem:s19+$0x100];
	v6 =	vadd.s32 s3, v3  }
0x7f: {  	s4 =	simm.s32 $0x1770;
	v13 =	vld [tilespmem:s19+$0x180];
	v7 =	vadd.s32 s25, v3  }
0x80: {  	v12 =	vld [tilespmem:s19+$0xFFFFFE00];
	v8 =	vadd.s32 s4, v3;
	s25 =	simm.s32 $0x1B58  }
0x81: {  	v14 =	vld [tilespmem:s19+$0xFFFFFE80];
	s4 =	simm.s32 $0x3E8;
	v19 =	vadd.s32 s25, v3  }
0x82: {  	v15 =	vld [tilespmem:s19+$0xFFFFFF00];
	s3 =	simm.s32 $0x7D0;
	v20 =	vadd.s32 s4, v3  }
0x83: {  	s25 =	simm.s32 $0xBB8;
	v21 =	vadd.s32 s3, v3;
	v16 =	vld.idx.msk [tilespmem:v6+s2+$0x0], $0xffff  }
0x84: {  	v4 =	vimm.f32 $0.0e+00;
	s29 =	smov.u32 s19;
	s30 =	smov.u32 s0;
	v5 =	vadd.s32 $0x1F40, v3;
	v22 =	vadd.s32 s25, v3;
	v18 =	vld.idx.msk [tilespmem:v7+s2+$0x0], $0xffff  }
0x85: {  	s31 =	sor.u32 $0x80, s1;
	s1 =	simm.s32 $0x0;
	v23 =	vmovc v3;
	s25 =	simm.s32 $0x1F40;
	v17 =	vld.idx.msk [tilespmem:v8+s2+$0x0], $0xffff;
	v8 =	vimm.f32 $0.0e+00;
	v6 =	vimm.f32 $0.0e+00;
	v7 =	vimm.f32 $0.0e+00  }
.LBB2_7:
0x86: {  	p1 =	sne.s32 s25, $0xDAC0;
	v19 =	vld.idx.msk [tilespmem:v19+s2+$0x0], $0xffff  }
0x87: {  	v20 =	vld.idx.msk [tilespmem:v20+s2+$0x0], $0xffff  }
0x88: {  	v21 =	vld.idx.msk [tilespmem:v21+s2+$0x0], $0xffff  }
0x89: {  	v22 =	vld.idx.msk [tilespmem:v22+s2+$0x0], $0xffff  }
0x8a: {  	v23 =	vld.idx.msk [tilespmem:v23+s2+$0x0], $0xffff  }
0x8b: {  	v24 =	vld [tilespmem:s29+$0xFFFFFF80]  }
0x8c: {  	v25 =	vld [tilespmem:s30+$0xFFFFFE80]  }
0x8d: {  	v9 =	vmul.f32 v16, v9;
	v10 =	vmul.f32 v18, v10;
	v26 =	vld [tilespmem:s30+$0xFFFFFF00]  }
0x8e: {  	v11 =	vmul.f32 v17, v11;
	v13 =	vmul.f32 v19, v13;
	v16 =	vld [tilespmem:s30+$0xFFFFFF80]  }
0x8f: {  	v14 =	vmul.f32 v20, v14;
	v15 =	vmul.f32 v21, v15;
	v17 =	vld [tilespmem:s30+$0x100]  }
0x90: {  	v12 =	vmul.f32 v23, v12;
	v18 =	vmul.f32 v22, v24;
	v19 =	vld [tilespmem:s30+$0x180];
	s30 =	sadd.s32 $0x400, s30  }
0x91: {  	v20 =	vmul.f32 v9, v0;
	v21 =	vmul.f32 v10, v1;
	v0 =	vld [tilespmem:s30+$0x0]  }
0x92: {  	v10 =	vmul.f32 v12, v2;
	v12 =	vmul.f32 v14, v25;
	v1 =	vld [tilespmem:s30+$0x80]  }
0x93: {  	s29 =	sadd.s32 $0x400, s29;
	v14 =	vmul.f32 v15, v26;
	v2 =	vld [tilespmem:s30+$0xFFFFFE00];
	v15 =	vmul.f32 v18, v16  }
0x94: {  	v4 =	vadd.f32 v10, v4;
	v8 =	vadd.f32 v12, v8;
	v9 =	vld [tilespmem:s29+$0x0];
	v12 =	vmul.f32 v11, v17  }
0x95: {  	s3 =	sadd.s32 $0xFA0, s25;
	v6 =	vadd.f32 v14, v6;
	v10 =	vld [tilespmem:s29+$0x80];
	v7 =	vadd.f32 v15, v7;
	v14 =	vmul.f32 v13, v19  }
0x96: {  	v16 =	vadd.s32 s3, v3;
	s3 =	sadd.s32 $0x1388, s25;
	v4 =	vadd.f32 v20, v4;
	v8 =	vadd.f32 v21, v8;
	v11 =	vld [tilespmem:s29+$0x100]  }
0x97: {  	v17 =	vadd.s32 s3, v3;
	s3 =	sadd.s32 $0x1770, s25;
	v6 =	vadd.f32 v12, v6;
	v13 =	vld [tilespmem:s29+$0x180];
	v7 =	vadd.f32 v14, v7  }
0x98: {  	v23 =	vadd.s32 s3, v3;
	s3 =	sadd.s32 $0x1B58, s25;
	v12 =	vld [tilespmem:s29+$0xFFFFFE00]  }
.Ltmp2:
0x99: {  	s4 =	sadd.s32 $0x3E8, s25;
	v19 =	vadd.s32 s3, v3;
	v14 =	vld [tilespmem:s29+$0xFFFFFE80];
	(pc) =	sbr.rel @p1 .LBB2_7-.Ltmp2, $4  }
0x9a: {  	v20 =	vadd.s32 s4, v3;
	s3 =	sadd.s32 $0x7D0, s25;
	v15 =	vld [tilespmem:s29+$0xFFFFFF00]  }
0x9b: {  	v21 =	vadd.s32 s3, v3;
	s3 =	sadd.s32 $0xBB8, s25;
	v16 =	vld.idx.msk [tilespmem:v16+s2+$0x0], $0xffff  }
0x9c: {  	v22 =	vadd.s32 s3, v3;
	v18 =	vld.idx.msk [tilespmem:v17+s2+$0x0], $0xffff  }
0x9d: {  	v17 =	vld.idx.msk [tilespmem:v23+s2+$0x0], $0xffff;
	v23 =	vadd.s32 s1, v5;
	s1 =	smov.u32 s25;
	s25 =	sadd.s32 $0x1F40, s25  }
0x9e: {  	_ =	sdelay $0x3  }
0x9f: {  	v3 =	vld.idx.msk [tilespmem:v19+s2+$0x0], $0xffff  }
0xa0: {  	v5 =	vld.idx.msk [tilespmem:v20+s2+$0x0], $0xffff  }
0xa1: {  	v48 =	vld.idx.msk [tilespmem:v21+s2+$0x0], $0xffff  }
0xa2: {  	v49 =	vld.idx.msk [tilespmem:v22+s2+$0x0], $0xffff  }
0xa3: {  	v50 =	vld.idx.msk [tilespmem:v23+s2+$0x0], $0xffff  }
0xa4: {  	v51 =	vld [tilespmem:s29+$0xFFFFFF80]  }
0xa5: {  	v52 =	vld [tilespmem:s30+$0xFFFFFE80];
	v9 =	vmul.f32 v16, v9  }
0xa6: {  	v24 =	vld [tilespmem:s30+$0xFFFFFF00];
	v10 =	vmul.f32 v18, v10  }
0xa7: {  	v53 =	vld [tilespmem:s30+$0xFFFFFF80];
	v11 =	vmul.f32 v17, v11;
	v0 =	vmul.f32 v9, v0  }
0xa8: {  	v55 =	vld [tilespmem:s30+$0x100];
	v3 =	vmul.f32 v3, v13;
	v5 =	vmul.f32 v5, v14  }
0xa9: {  	v57 =	vld [tilespmem:s30+$0x180];
	v54 =	vmul.f32 v48, v15;
	v12 =	vmul.f32 v50, v12  }
0xaa: {  	v56 =	vmul.f32 v49, v51;
	v1 =	vmul.f32 v10, v1  }
0xab: {  	v2 =	vmul.f32 v12, v2;
	v5 =	vmul.f32 v5, v52  }
0xac: {  	v58 =	vmul.f32 v54, v24;
	v59 =	vmul.f32 v56, v53  }
0xad: {  	v61 =	vmul.f32 v11, v55;
	v2 =	vadd.f32 v2, v4;
	v60 =	vadd.f32 v5, v8  }
0xae: {  	v3 =	vmul.f32 v3, v57;
	v6 =	vadd.f32 v58, v6;
	v7 =	vadd.f32 v59, v7  }
0xaf: {  	v0 =	vadd.f32 v0, v2;
	v1 =	vadd.f32 v1, v60  }
0xb0: {  	s28 =	sadd.s32 $0x1, s28;
	v62 =	vadd.f32 v61, v6;
	v3 =	vadd.f32 v3, v7  }
0xb1: {  	p1 =	sne.s32 s28, $0x8  }
.Ltmp3:
0xb2: {  	v0 =	vadd.f32 v1, v0;
	v63 =	vadd.f32 v3, v62;
	(pc) =	sbr.rel @p1 .LBB2_6-.Ltmp3, $3  }
0xb3: {  	_ = 	snop  }
0xb4: {  	v0 =	vadd.f32 v63, v0;
	_ =	sdelay $0x1  }
0xb5: {  	s19 =	sadd.s32 $0x10, s19;
	s0 =	sadd.s32 $0x10, s0;
	[tilespmem:s31+$0x17C00] =	vst v0  }
0xb6: {  	[tilespmem:s21], [sflag:$0x2] =	stream.strided.gather [hbm4b:s11+s15], $0x2000, s16, s15, $0x38;
	[tilespmem:$0x18DA0] =	vst v63  }
0xb7: {  	_ = 	snop  }
0xb8: {  	[tilespmem:s22], [sflag:$0x2] =	stream.strided.gather [hbm4b:s12+s15], $0x2000, s16, s15, $0x38;
	[tilespmem:$0x18DA0] =	vst v63  }
0xb9: {  	_ =	swait.ge [sflag:s23], $0x2000  }
0xba: {  	[sflag:s23] =	ssyncset.done $0x0  }
0xbb: {  	[sflag:s23] =	ssyncadd.s32 $0xFFFFE000  }
0xbc: {  	_ =	swait.ge [sflag:s23], $0x2000  }
0xbd: {  	s28 =	simm.s32 $0x0;
	[sflag:s23] =	ssyncset.done $0x0  }
0xbe: {  	s29 =	simm.s32 $0xFE00;
	s30 =	simm.s32 $0x11E00;
	[sflag:s23] =	ssyncadd.s32 $0xFFFFE000  }
.LBB2_10:
0xbf: {  	s0 =	sshll.u32 s28, $0x4;
	v0 =	vld [tilespmem:s30+$0x0]  }
0xc0: {  	v3 =	vld [tilespmem:s0+$0xFB00]  }
0xc1: {  	v1 =	vld [tilespmem:s30+$0x80]  }
0xc2: {  	v2 =	vld [tilespmem:s30+$0xFFFFFE00]  }
0xc3: {  	v9 =	vld [tilespmem:s29+$0x0]  }
0xc4: {  	s1 =	simm.s32 $0xFA0;
	v10 =	vld [tilespmem:s29+$0x80]  }
0xc5: {  	s3 =	simm.s32 $0x1388;
	v11 =	vld [tilespmem:s29+$0x100];
	v6 =	vadd.s32 s1, v3  }
0xc6: {  	s4 =	simm.s32 $0x1770;
	v13 =	vld [tilespmem:s29+$0x180];
	v7 =	vadd.s32 s3, v3  }
0xc7: {  	v12 =	vld [tilespmem:s29+$0xFFFFFE00];
	s19 =	simm.s32 $0x1B58;
	v8 =	vadd.s32 s4, v3  }
0xc8: {  	v14 =	vld [tilespmem:s29+$0xFFFFFE80];
	s3 =	simm.s32 $0x3E8;
	v19 =	vadd.s32 s19, v3  }
0xc9: {  	v15 =	vld [tilespmem:s29+$0xFFFFFF00];
	s25 =	simm.s32 $0x7D0;
	v20 =	vadd.s32 s3, v3  }
0xca: {  	s4 =	simm.s32 $0xBB8;
	v21 =	vadd.s32 s25, v3;
	v16 =	vld.idx.msk [tilespmem:v6+s2+$0x0], $0xffff  }
0xcb: {  	v4 =	vimm.f32 $0.0e+00;
	s31 =	sor.u32 $0x100, s0;
	s0 =	smov.u32 s30;
	v5 =	vadd.s32 $0x1F40, v3;
	v22 =	vadd.s32 s4, v3;
	v18 =	vld.idx.msk [tilespmem:v7+s2+$0x0], $0xffff  }
0xcc: {  	s25 =	simm.s32 $0x1F40;
	v23 =	vmovc v3;
	s19 =	smov.u32 s29;
	s1 =	simm.s32 $0x0;
	v17 =	vld.idx.msk [tilespmem:v8+s2+$0x0], $0xffff;
	v8 =	vimm.f32 $0.0e+00;
	v6 =	vimm.f32 $0.0e+00;
	v7 =	vimm.f32 $0.0e+00  }
.LBB2_11:
0xcd: {  	p1 =	sne.s32 s25, $0xDAC0;
	v19 =	vld.idx.msk [tilespmem:v19+s2+$0x0], $0xffff  }
0xce: {  	v20 =	vld.idx.msk [tilespmem:v20+s2+$0x0], $0xffff  }
0xcf: {  	v21 =	vld.idx.msk [tilespmem:v21+s2+$0x0], $0xffff  }
0xd0: {  	v22 =	vld.idx.msk [tilespmem:v22+s2+$0x0], $0xffff  }
0xd1: {  	v23 =	vld.idx.msk [tilespmem:v23+s2+$0x0], $0xffff  }
0xd2: {  	v24 =	vld [tilespmem:s19+$0xFFFFFF80]  }
0xd3: {  	v25 =	vld [tilespmem:s0+$0xFFFFFE80]  }
0xd4: {  	v9 =	vmul.f32 v16, v9;
	v10 =	vmul.f32 v18, v10;
	v26 =	vld [tilespmem:s0+$0xFFFFFF00]  }
0xd5: {  	v11 =	vmul.f32 v17, v11;
	v13 =	vmul.f32 v19, v13;
	v16 =	vld [tilespmem:s0+$0xFFFFFF80]  }
0xd6: {  	v14 =	vmul.f32 v20, v14;
	v15 =	vmul.f32 v21, v15;
	v17 =	vld [tilespmem:s0+$0x100]  }
0xd7: {  	v12 =	vmul.f32 v23, v12;
	v18 =	vmul.f32 v22, v24;
	v19 =	vld [tilespmem:s0+$0x180];
	s0 =	sadd.s32 $0x400, s0  }
0xd8: {  	v20 =	vmul.f32 v9, v0;
	v21 =	vmul.f32 v10, v1;
	v0 =	vld [tilespmem:s0+$0x0]  }
0xd9: {  	v10 =	vmul.f32 v12, v2;
	v12 =	vmul.f32 v14, v25;
	v1 =	vld [tilespmem:s0+$0x80]  }
0xda: {  	s19 =	sadd.s32 $0x400, s19;
	v14 =	vmul.f32 v15, v26;
	v2 =	vld [tilespmem:s0+$0xFFFFFE00];
	v15 =	vmul.f32 v18, v16  }
0xdb: {  	v4 =	vadd.f32 v10, v4;
	v8 =	vadd.f32 v12, v8;
	v9 =	vld [tilespmem:s19+$0x0];
	v12 =	vmul.f32 v11, v17  }
0xdc: {  	s3 =	sadd.s32 $0xFA0, s25;
	v6 =	vadd.f32 v14, v6;
	v10 =	vld [tilespmem:s19+$0x80];
	v7 =	vadd.f32 v15, v7;
	v14 =	vmul.f32 v13, v19  }
0xdd: {  	v16 =	vadd.s32 s3, v3;
	s3 =	sadd.s32 $0x1388, s25;
	v4 =	vadd.f32 v20, v4;
	v8 =	vadd.f32 v21, v8;
	v11 =	vld [tilespmem:s19+$0x100]  }
0xde: {  	v17 =	vadd.s32 s3, v3;
	s3 =	sadd.s32 $0x1770, s25;
	v6 =	vadd.f32 v12, v6;
	v13 =	vld [tilespmem:s19+$0x180];
	v7 =	vadd.f32 v14, v7  }
0xdf: {  	v23 =	vadd.s32 s3, v3;
	s3 =	sadd.s32 $0x1B58, s25;
	v12 =	vld [tilespmem:s19+$0xFFFFFE00]  }
.Ltmp4:
0xe0: {  	s4 =	sadd.s32 $0x3E8, s25;
	v19 =	vadd.s32 s3, v3;
	v14 =	vld [tilespmem:s19+$0xFFFFFE80];
	(pc) =	sbr.rel @p1 .LBB2_11-.Ltmp4, $4  }
0xe1: {  	v20 =	vadd.s32 s4, v3;
	s3 =	sadd.s32 $0x7D0, s25;
	v15 =	vld [tilespmem:s19+$0xFFFFFF00]  }
0xe2: {  	v21 =	vadd.s32 s3, v3;
	s3 =	sadd.s32 $0xBB8, s25;
	v16 =	vld.idx.msk [tilespmem:v16+s2+$0x0], $0xffff  }
0xe3: {  	v22 =	vadd.s32 s3, v3;
	v18 =	vld.idx.msk [tilespmem:v17+s2+$0x0], $0xffff  }
0xe4: {  	v17 =	vld.idx.msk [tilespmem:v23+s2+$0x0], $0xffff;
	v23 =	vadd.s32 s1, v5;
	s1 =	smov.u32 s25;
	s25 =	sadd.s32 $0x1F40, s25  }
0xe5: {  	_ =	sdelay $0x3  }
0xe6: {  	v3 =	vld.idx.msk [tilespmem:v19+s2+$0x0], $0xffff  }
0xe7: {  	v5 =	vld.idx.msk [tilespmem:v20+s2+$0x0], $0xffff  }
0xe8: {  	v48 =	vld.idx.msk [tilespmem:v21+s2+$0x0], $0xffff  }
0xe9: {  	v49 =	vld.idx.msk [tilespmem:v22+s2+$0x0], $0xffff  }
0xea: {  	v50 =	vld.idx.msk [tilespmem:v23+s2+$0x0], $0xffff  }
0xeb: {  	v51 =	vld [tilespmem:s19+$0xFFFFFF80]  }
0xec: {  	v52 =	vld [tilespmem:s0+$0xFFFFFE80];
	v9 =	vmul.f32 v16, v9  }
0xed: {  	v24 =	vld [tilespmem:s0+$0xFFFFFF00];
	v10 =	vmul.f32 v18, v10  }
0xee: {  	v53 =	vld [tilespmem:s0+$0xFFFFFF80];
	v11 =	vmul.f32 v17, v11;
	v0 =	vmul.f32 v9, v0  }
0xef: {  	v55 =	vld [tilespmem:s0+$0x100];
	v3 =	vmul.f32 v3, v13;
	v5 =	vmul.f32 v5, v14  }
0xf0: {  	v57 =	vld [tilespmem:s0+$0x180];
	v54 =	vmul.f32 v48, v15;
	v12 =	vmul.f32 v50, v12  }
0xf1: {  	v56 =	vmul.f32 v49, v51;
	v1 =	vmul.f32 v10, v1  }
0xf2: {  	v2 =	vmul.f32 v12, v2;
	v5 =	vmul.f32 v5, v52  }
0xf3: {  	v58 =	vmul.f32 v54, v24;
	v59 =	vmul.f32 v56, v53  }
0xf4: {  	v61 =	vmul.f32 v11, v55;
	v2 =	vadd.f32 v2, v4;
	v60 =	vadd.f32 v5, v8  }
0xf5: {  	v3 =	vmul.f32 v3, v57;
	v6 =	vadd.f32 v58, v6;
	v7 =	vadd.f32 v59, v7  }
0xf6: {  	v0 =	vadd.f32 v0, v2;
	v1 =	vadd.f32 v1, v60  }
0xf7: {  	s28 =	sadd.s32 $0x1, s28;
	v62 =	vadd.f32 v61, v6;
	v3 =	vadd.f32 v3, v7  }
0xf8: {  	p1 =	sne.s32 s28, $0x8  }
.Ltmp5:
0xf9: {  	v0 =	vadd.f32 v1, v0;
	v63 =	vadd.f32 v3, v62;
	(pc) =	sbr.rel @p1 .LBB2_10-.Ltmp5, $3  }
0xfa: {  	_ = 	snop  }
0xfb: {  	v0 =	vadd.f32 v63, v0;
	_ =	sdelay $0x1  }
0xfc: {  	s29 =	sadd.s32 $0x10, s29;
	s30 =	sadd.s32 $0x10, s30;
	[tilespmem:s31+$0x17C00] =	vst v0  }
0xfd: {  	_ =	swait.ge [sflag:s24], $0x2000  }
0xfe: {  	[sflag:s24] =	ssyncset.done $0x0  }
0xff: {  	[sflag:s24] =	ssyncadd.s32 $0xFFFFE000  }
0x100: {  	_ =	swait.ge [sflag:s24], $0x2000  }
0x101: {  	s28 =	simm.s32 $0x0;
	[sflag:s24] =	ssyncset.done $0x0  }
0x102: {  	s29 =	simm.s32 $0x13E00;
	s30 =	simm.s32 $0x15E00;
	[sflag:s24] =	ssyncadd.s32 $0xFFFFE000  }
.LBB2_14:
0x103: {  	s0 =	sshll.u32 s28, $0x4;
	v0 =	vld [tilespmem:s30+$0x0]  }
0x104: {  	v3 =	vld [tilespmem:s0+$0xFB80]  }
0x105: {  	v1 =	vld [tilespmem:s30+$0x80]  }
0x106: {  	v2 =	vld [tilespmem:s30+$0xFFFFFE00]  }
0x107: {  	v9 =	vld [tilespmem:s29+$0x0]  }
0x108: {  	s1 =	simm.s32 $0xFA0;
	v10 =	vld [tilespmem:s29+$0x80]  }
0x109: {  	s3 =	simm.s32 $0x1388;
	v11 =	vld [tilespmem:s29+$0x100];
	v6 =	vadd.s32 s1, v3  }
0x10a: {  	s4 =	simm.s32 $0x1770;
	v13 =	vld [tilespmem:s29+$0x180];
	v7 =	vadd.s32 s3, v3  }
0x10b: {  	v12 =	vld [tilespmem:s29+$0xFFFFFE00];
	s19 =	simm.s32 $0x1B58;
	v8 =	vadd.s32 s4, v3  }
0x10c: {  	v14 =	vld [tilespmem:s29+$0xFFFFFE80];
	s3 =	simm.s32 $0x3E8;
	v19 =	vadd.s32 s19, v3  }
0x10d: {  	v15 =	vld [tilespmem:s29+$0xFFFFFF00];
	s25 =	simm.s32 $0x7D0;
	v20 =	vadd.s32 s3, v3  }
0x10e: {  	s4 =	simm.s32 $0xBB8;
	v21 =	vadd.s32 s25, v3;
	v16 =	vld.idx.msk [tilespmem:v6+s2+$0x0], $0xffff  }
0x10f: {  	v4 =	vimm.f32 $0.0e+00;
	s31 =	sor.u32 $0x180, s0;
	s0 =	smov.u32 s30;
	v5 =	vadd.s32 $0x1F40, v3;
	v22 =	vadd.s32 s4, v3;
	v18 =	vld.idx.msk [tilespmem:v7+s2+$0x0], $0xffff  }
0x110: {  	s25 =	simm.s32 $0x1F40;
	v23 =	vmovc v3;
	s19 =	smov.u32 s29;
	s1 =	simm.s32 $0x0;
	v17 =	vld.idx.msk [tilespmem:v8+s2+$0x0], $0xffff;
	v8 =	vimm.f32 $0.0e+00;
	v6 =	vimm.f32 $0.0e+00;
	v7 =	vimm.f32 $0.0e+00  }
.LBB2_15:
0x111: {  	p1 =	sne.s32 s25, $0xDAC0;
	v19 =	vld.idx.msk [tilespmem:v19+s2+$0x0], $0xffff  }
0x112: {  	v20 =	vld.idx.msk [tilespmem:v20+s2+$0x0], $0xffff  }
0x113: {  	v21 =	vld.idx.msk [tilespmem:v21+s2+$0x0], $0xffff  }
0x114: {  	v22 =	vld.idx.msk [tilespmem:v22+s2+$0x0], $0xffff  }
0x115: {  	v23 =	vld.idx.msk [tilespmem:v23+s2+$0x0], $0xffff  }
0x116: {  	v24 =	vld [tilespmem:s19+$0xFFFFFF80]  }
0x117: {  	v25 =	vld [tilespmem:s0+$0xFFFFFE80]  }
0x118: {  	v9 =	vmul.f32 v16, v9;
	v10 =	vmul.f32 v18, v10;
	v26 =	vld [tilespmem:s0+$0xFFFFFF00]  }
0x119: {  	v11 =	vmul.f32 v17, v11;
	v13 =	vmul.f32 v19, v13;
	v16 =	vld [tilespmem:s0+$0xFFFFFF80]  }
0x11a: {  	v14 =	vmul.f32 v20, v14;
	v15 =	vmul.f32 v21, v15;
	v17 =	vld [tilespmem:s0+$0x100]  }
0x11b: {  	v12 =	vmul.f32 v23, v12;
	v18 =	vmul.f32 v22, v24;
	v19 =	vld [tilespmem:s0+$0x180];
	s0 =	sadd.s32 $0x400, s0  }
0x11c: {  	v20 =	vmul.f32 v9, v0;
	v21 =	vmul.f32 v10, v1;
	v0 =	vld [tilespmem:s0+$0x0]  }
0x11d: {  	v10 =	vmul.f32 v12, v2;
	v12 =	vmul.f32 v14, v25;
	v1 =	vld [tilespmem:s0+$0x80]  }
0x11e: {  	s19 =	sadd.s32 $0x400, s19;
	v14 =	vmul.f32 v15, v26;
	v2 =	vld [tilespmem:s0+$0xFFFFFE00];
	v15 =	vmul.f32 v18, v16  }
0x11f: {  	v4 =	vadd.f32 v10, v4;
	v8 =	vadd.f32 v12, v8;
	v9 =	vld [tilespmem:s19+$0x0];
	v12 =	vmul.f32 v11, v17  }
0x120: {  	s3 =	sadd.s32 $0xFA0, s25;
	v6 =	vadd.f32 v14, v6;
	v10 =	vld [tilespmem:s19+$0x80];
	v7 =	vadd.f32 v15, v7;
	v14 =	vmul.f32 v13, v19  }
0x121: {  	v16 =	vadd.s32 s3, v3;
	s3 =	sadd.s32 $0x1388, s25;
	v4 =	vadd.f32 v20, v4;
	v8 =	vadd.f32 v21, v8;
	v11 =	vld [tilespmem:s19+$0x100]  }
0x122: {  	v17 =	vadd.s32 s3, v3;
	s3 =	sadd.s32 $0x1770, s25;
	v6 =	vadd.f32 v12, v6;
	v13 =	vld [tilespmem:s19+$0x180];
	v7 =	vadd.f32 v14, v7  }
0x123: {  	v23 =	vadd.s32 s3, v3;
	s3 =	sadd.s32 $0x1B58, s25;
	v12 =	vld [tilespmem:s19+$0xFFFFFE00]  }
.Ltmp6:
0x124: {  	s4 =	sadd.s32 $0x3E8, s25;
	v19 =	vadd.s32 s3, v3;
	v14 =	vld [tilespmem:s19+$0xFFFFFE80];
	(pc) =	sbr.rel @p1 .LBB2_15-.Ltmp6, $4  }
0x125: {  	v20 =	vadd.s32 s4, v3;
	s3 =	sadd.s32 $0x7D0, s25;
	v15 =	vld [tilespmem:s19+$0xFFFFFF00]  }
0x126: {  	v21 =	vadd.s32 s3, v3;
	s3 =	sadd.s32 $0xBB8, s25;
	v16 =	vld.idx.msk [tilespmem:v16+s2+$0x0], $0xffff  }
0x127: {  	v22 =	vadd.s32 s3, v3;
	v18 =	vld.idx.msk [tilespmem:v17+s2+$0x0], $0xffff  }
0x128: {  	v17 =	vld.idx.msk [tilespmem:v23+s2+$0x0], $0xffff;
	v23 =	vadd.s32 s1, v5;
	s1 =	smov.u32 s25;
	s25 =	sadd.s32 $0x1F40, s25  }
0x129: {  	_ =	sdelay $0x3  }
0x12a: {  	v3 =	vld.idx.msk [tilespmem:v19+s2+$0x0], $0xffff  }
0x12b: {  	v5 =	vld.idx.msk [tilespmem:v20+s2+$0x0], $0xffff  }
0x12c: {  	v48 =	vld.idx.msk [tilespmem:v21+s2+$0x0], $0xffff  }
0x12d: {  	v49 =	vld.idx.msk [tilespmem:v22+s2+$0x0], $0xffff  }
0x12e: {  	v50 =	vld.idx.msk [tilespmem:v23+s2+$0x0], $0xffff  }
0x12f: {  	v51 =	vld [tilespmem:s19+$0xFFFFFF80]  }
0x130: {  	v52 =	vld [tilespmem:s0+$0xFFFFFE80];
	v9 =	vmul.f32 v16, v9  }
0x131: {  	v24 =	vld [tilespmem:s0+$0xFFFFFF00];
	v10 =	vmul.f32 v18, v10  }
0x132: {  	v53 =	vld [tilespmem:s0+$0xFFFFFF80];
	v11 =	vmul.f32 v17, v11;
	v0 =	vmul.f32 v9, v0  }
0x133: {  	v55 =	vld [tilespmem:s0+$0x100];
	v3 =	vmul.f32 v3, v13;
	v5 =	vmul.f32 v5, v14  }
0x134: {  	v57 =	vld [tilespmem:s0+$0x180];
	v54 =	vmul.f32 v48, v15;
	v12 =	vmul.f32 v50, v12  }
0x135: {  	v56 =	vmul.f32 v49, v51;
	v1 =	vmul.f32 v10, v1  }
0x136: {  	v2 =	vmul.f32 v12, v2;
	v5 =	vmul.f32 v5, v52  }
0x137: {  	v58 =	vmul.f32 v54, v24;
	v59 =	vmul.f32 v56, v53  }
0x138: {  	v61 =	vmul.f32 v11, v55;
	v2 =	vadd.f32 v2, v4;
	v60 =	vadd.f32 v5, v8  }
0x139: {  	v3 =	vmul.f32 v3, v57;
	v6 =	vadd.f32 v58, v6;
	v7 =	vadd.f32 v59, v7  }
0x13a: {  	v0 =	vadd.f32 v0, v2;
	v1 =	vadd.f32 v1, v60  }
0x13b: {  	s28 =	sadd.s32 $0x1, s28;
	v62 =	vadd.f32 v61, v6;
	v3 =	vadd.f32 v3, v7  }
0x13c: {  	p1 =	sne.s32 s28, $0x8  }
.Ltmp7:
0x13d: {  	v0 =	vadd.f32 v1, v0;
	v63 =	vadd.f32 v3, v62;
	(pc) =	sbr.rel @p1 .LBB2_14-.Ltmp7, $3  }
0x13e: {  	_ = 	snop  }
0x13f: {  	v0 =	vadd.f32 v63, v0;
	_ =	sdelay $0x1  }
0x140: {  	s29 =	sadd.s32 $0x10, s29;
	s30 =	sadd.s32 $0x10, s30;
	[tilespmem:s31+$0x17C00] =	vst v0  }
0x141: {  	s26 =	sadd.s32 $0x1, s26  }
0x142: {  	p1 =	sne.s32 s26, s14  }
.Ltmp8:
0x143: {  	s0 =	simm.s32 $0x17C00;
	(pc) =	sbr.rel @p1 .LBB2_1-.Ltmp8, $4  }
0x144: {  	[hbm4b:s13+s2] =	stream.linear.scatter [tilespmem:s0], [sflag:$0x3], $0x200, $0x38;
	[tilespmem:$0x18DA0] =	vst v63  }
0x145: {  	_ =	swait.ge [sflag:s20], $0x200  }
0x146: {  	[sflag:s20] =	ssyncset.done $0x0  }
0x147: {  	[sflag:s20] =	ssyncadd.s32 $0xFFFFFE00  }
0x148: {  	_ =	sfence.sel $0x180000  }
0x149: {  	[bflag:$0x0] =	sbarrier.arrive $0xFFFF  }
0x14a: {  	_ =	strace $0x90000047  }
0x14b: {  	[bflag:$0x2] =	sbarrier.arrive $0xFFFF  }
0x14c: {  	s0 =	rddreg [dreg:$0x6]  }
0x14d: {  	s0 =	sadd.s32 @!p0 $0x100000, s0  }
0x14e: {  	[sflag:s0] =	ssyncadd.tile.s32 @!p0 $0x1;
	_ =	shalt  }
.Lfunc_end2:
_tile_overlayer_lowered:
.L_overlay_start_2:
0x14f: {  	(tag) =	ssettag $0x2  }
0x150: {  	s0 =	rddreg [dreg:$0x0];
	s2 =	stileid.u32  }
0x151: {  	s1 =	rddreg [dreg:$0x1];
	p0 =	sne.s32 s2, $0x0  }
0x152: {  	s3 =	rddreg [dreg:$0x2];
	[bflag:$0x3] =	sbarrier.arrive $0xFFFF;
	s2 =	simm.s32 @!p0 $0x1C03  }
0x153: {  	[timem:s3], [sflag:s2] =	dma.local @!p0 [hbm:s0], s1  }
0x154: {  	s0 =	simm.s32 @!p0 $0x3  }
0x155: {  	_ =	swait.ge @!p0 [sflag:s0], s1  }
0x156: {  	s1 =	ssub.s32 @!p0 $0x0, s1;
	[sflag:s0] =	ssyncset.done @!p0 $0x0  }
0x157: {  	[sflag:s0] =	ssyncadd.s32 @!p0 s1  }
0x158: {  	[bflag:$0x3] =	sbarrier.arrive $0xFFFF  }
0x159: {  	_ =	shalt  }

</sc_bundles>
